<compile_context>
chip_gen: v7x
topology: tpu7x:2x2x1
jax: 0.10.2.dev20260603
libtpu: 0.0.44.dev20260713+nightly
codegen_flags: <defaults>
</compile_context>

<pallas_src>
import jax
import jax.numpy as jnp
from jax import lax
from jax.experimental import pallas as pl
from jax.experimental.pallas import tpu as pltpu
from jax.experimental.pallas import tpu_sc as plsc

_GRID = 64
_S = 32
_P = 8192
_VDIM = 3
_G3 = _GRID * _GRID * _GRID
_GW = _G3 * _VDIM
_NT = 16
_RPC = _S // 2
_PT = _P // _NT
_HLF = _PT // 2
_NG = 24
_HW = _HLF * _NG
_SL = _GW // _NT

_OFFJ = tuple(
    (((j // 6) >> 1) * _GRID * _GRID + ((j // 6) & 1) * _GRID) * _VDIM
    + (j % 6)
    for j in range(_NG))


def _tc_idx_body(p_ref, x_ref, idx_ref, w_ref):
    p = p_ref[0]
    c = p[:, 0:1]
    off = p[:, 1:2]
    sp = p[:, 2:3]
    rad = p[0:1, 3:4]
    d = x_ref[0] - c
    q = d[0:1] * d[0:1] + d[1:2] * d[1:2] + d[2:3] * d[2:3]
    nd = jnp.maximum(jnp.sqrt(q) / rad, 1.0)
    t = (d / nd + off) / sp
    it = t.astype(jnp.int32)
    w_ref[0] = t - it.astype(jnp.float32)
    rowe = ((it[0:1] * _GRID + it[1:2]) * _GRID + it[2:3]) * _VDIM
    for j in range(_NG):
        idx_ref[0, j:j + 1, :] = rowe + _OFFJ[j]


def _tc_blend_body(cv_ref, w_ref, o_ref):
    wx = w_ref[0, 0:1, :]
    wy = w_ref[0, 1:2, :]
    wz = w_ref[0, 2:3, :]
    ex = 1.0 - wx
    ey = 1.0 - wy
    ez = 1.0 - wz
    for c in range(_VDIM):
        acc = None
        for qp in range(4):
            for dz in range(2):
                wk = ((wx if (qp >> 1) else ex)
                      * (wy if (qp & 1) else ey) * (wz if dz else ez))
                v = wk * cv_ref[0, qp * 6 + 3 * dz + c:qp * 6 + 3 * dz + c + 1, :]
                acc = v if acc is None else acc + v
        o_ref[0, c:c + 1, :] = acc


def _sc_body(idx_hbm, tab_hbm, cv_hbm,
             idx_v, cv_v, spm_a, spm_b, gsem, ssem):
    core = lax.axis_index("c")
    sid = lax.axis_index("s")
    shbase = core * _RPC

    def stage_issue(r_next, spm):
        src = tab_hbm.at[pl.ds((shbase + r_next) * _GW + sid * _SL, _SL)]
        pltpu.async_copy(src, spm.at[pl.ds(sid * _SL, _SL)], ssem)

    def stage_drain(r_next, spm):
        src = tab_hbm.at[pl.ds((shbase + r_next) * _GW + sid * _SL, _SL)]
        pltpu.make_async_copy(
            src, spm.at[pl.ds(sid * _SL, _SL)], ssem).wait()

    def round_body(r, spm, spm_next):
        sh = shbase + r
        lbase = (sh * _P + sid * _PT) * _NG

        @pl.when(r + 1 < _RPC)
        def _():
            stage_issue(r + 1, spm_next)

        def half(h, carry):
            hoff = lbase + h * _HW
            pltpu.sync_copy(idx_hbm.at[pl.ds(hoff, _HW)], idx_v)
            pltpu.async_copy(spm.at[idx_v.at[...]], cv_v, gsem).wait()
            pltpu.sync_copy(cv_v, cv_hbm.at[pl.ds(hoff, _HW)])
            return carry

        lax.fori_loop(0, 2, half, 0)

        @pl.when(r + 1 < _RPC)
        def _():
            stage_drain(r + 1, spm_next)

        plsc.subcore_barrier()

    stage_issue(0, spm_a)
    stage_drain(0, spm_a)
    plsc.subcore_barrier()

    def superround(sr, carry):
        round_body(2 * sr, spm_a, spm_b)
        round_body(2 * sr + 1, spm_b, spm_a)
        return carry

    lax.fori_loop(0, _RPC // 2, superround, 0)


def kernel(x, s, values, center, radius, bounding_box, spacing):
    si = s.astype(jnp.int32)
    c = center[si]
    r = radius[si]
    bb0 = bounding_box[si, 0]
    sp = spacing[si]
    params = jnp.concatenate(
        [jnp.stack([c, c - bb0, sp, jnp.broadcast_to(r[:, None], (_S, 3))],
                   axis=2),
         jnp.zeros((_S, 3, 12), jnp.float32)], axis=2)
    xt = x.transpose(0, 2, 1)
    idxp, w = pl.pallas_call(
        _tc_idx_body,
        grid=(_S,),
        in_specs=[pl.BlockSpec((1, 3, 16), lambda i: (i, 0, 0)),
                  pl.BlockSpec((1, 3, _P), lambda i: (i, 0, 0))],
        out_specs=[pl.BlockSpec((1, _NG, _P), lambda i: (i, 0, 0)),
                   pl.BlockSpec((1, 3, _P), lambda i: (i, 0, 0))],
        out_shape=[jax.ShapeDtypeStruct((_S, _NG, _P), jnp.int32),
                   jax.ShapeDtypeStruct((_S, 3, _P), jnp.float32)],
    )(params, xt)
    idxflat = idxp.transpose(0, 2, 1).reshape(_S * _P * _NG)
    fn = pl.kernel(
        _sc_body,
        out_type=jax.ShapeDtypeStruct((_S * _P * _NG,), jnp.float32),
        mesh=plsc.VectorSubcoreMesh(core_axis_name="c", subcore_axis_name="s"),
        scratch_types=[
            pltpu.VMEM((_HW,), jnp.int32),
            pltpu.VMEM((_HW,), jnp.float32),
            pltpu.VMEM_SHARED((_GW,), jnp.float32),
            pltpu.VMEM_SHARED((_GW,), jnp.float32),
            pltpu.SemaphoreType.DMA,
            pltpu.SemaphoreType.DMA,
        ],
    )
    cvraw = fn(idxflat, values.reshape(_S * _GW))
    cvt = cvraw.reshape(_S, _P, _NG).transpose(0, 2, 1)
    out = pl.pallas_call(
        _tc_blend_body,
        grid=(_S,),
        in_specs=[pl.BlockSpec((1, _NG, _P), lambda i: (i, 0, 0)),
                  pl.BlockSpec((1, 3, _P), lambda i: (i, 0, 0))],
        out_specs=pl.BlockSpec((1, 3, _P), lambda i: (i, 0, 0)),
        out_shape=jax.ShapeDtypeStruct((_S, 3, _P), jnp.float32),
    )(cvt, w)
    return out.transpose(0, 2, 1)

# --- scband reference (transcript-rebuilt; emitter-appended) ---
"""Pipeline reference for scband-grid-interpolator-39118562132123 (READ-ONLY COPY).

The authoritative reference and input builder live on the scoring server;
editing this copy changes nothing except your own understanding.
"""

import jax, jax.numpy as jnp
import numpy as np

GRID = 64
S = 32
P = 8192
DIM = 3
VDIM = 3


def setup_inputs(seed: int = 0) -> dict:
    key = jax.random.key(seed)
    k1, k2, k3, k4 = jax.random.split(key, 4)
    center = 0.5 * jax.random.normal(k1, (S, DIM), dtype=jnp.float32)
    radius = jax.random.uniform(k2, (S,), dtype=jnp.float32, minval=1.0, maxval=2.0)
    bounding_box = jnp.stack((center - 1.01 * radius[:, None], center + 1.01 * radius[:, None]), axis=-2)
    spacing = (bounding_box[:, 1] - bounding_box[:, 0]) / (GRID - 1)
    values = jax.random.normal(k3, (S, GRID, GRID, GRID, VDIM), dtype=jnp.float32)
    x = jax.random.normal(k4, (S, P, DIM), dtype=jnp.float32)
    s = jnp.arange(S, dtype=jnp.int32)
    return {"x": x, "s": s, "values": values, "center": center, "radius": radius,
            "bounding_box": bounding_box, "spacing": spacing}


def _linear_interp(xclamp, s, values, bounding_box, spacing):
    bb0 = bounding_box[s, 0][:, None, :]
    sp = spacing[s][:, None, :]
    id_scalar = (xclamp - bb0) / sp
    ids_min = jnp.floor(id_scalar).astype(jnp.int32)
    w = id_scalar - ids_min
    ids_max = ids_min + 1
    nw = 1.0 - w
    a = nw[:, :, 0] * nw[:, :, 1] * nw[:, :, 2]
    b = w[:, :, 0] * nw[:, :, 1] * nw[:, :, 2]
    c = nw[:, :, 0] * w[:, :, 1] * nw[:, :, 2]
    d = w[:, :, 0] * w[:, :, 1] * nw[:, :, 2]
    e = nw[:, :, 0] * nw[:, :, 1] * w[:, :, 2]
    f = w[:, :, 0] * nw[:, :, 1] * w[:, :, 2]
    g = nw[:, :, 0] * w[:, :, 1] * w[:, :, 2]
    h = w[:, :, 0] * w[:, :, 1] * w[:, :, 2]
    sb = s[:, None]
    v000 = values[sb, ids_min[:, :, 0], ids_min[:, :, 1], ids_min[:, :, 2]]
    v100 = values[sb, ids_max[:, :, 0], ids_min[:, :, 1], ids_min[:, :, 2]]
    v010 = values[sb, ids_min[:, :, 0], ids_max[:, :, 1], ids_min[:, :, 2]]
    v110 = values[sb, ids_max[:, :, 0], ids_max[:, :, 1], ids_min[:, :, 2]]
    v001 = values[sb, ids_min[:, :, 0], ids_min[:, :, 1], ids_max[:, :, 2]]
    v101 = values[sb, ids_max[:, :, 0], ids_min[:, :, 1], ids_max[:, :, 2]]
    v011 = values[sb, ids_min[:, :, 0], ids_max[:, :, 1], ids_max[:, :, 2]]
    v111 = values[sb, ids_max[:, :, 0], ids_max[:, :, 1], ids_max[:, :, 2]]
    res = (a[:, :, None] * v000 + b[:, :, None] * v100 + c[:, :, None] * v010 + d[:, :, None] * v110
           + e[:, :, None] * v001 + f[:, :, None] * v101 + g[:, :, None] * v011 + h[:, :, None] * v111)
    return res


def reference(x, s, values, center, radius, bounding_box, spacing):
    # GridInterpolator.forward with extend=False, normalize=False, dim=3
    d = x - center[s][:, None, :]
    normd = jnp.linalg.norm(d, axis=2) / radius[s][:, None]
    normd = jnp.maximum(normd, 1.0)
    dclamp = d / normd[:, :, None]
    xclamp = dclamp + center[s][:, None, :]
    out = _linear_interp(xclamp, s, values, bounding_box, spacing)
    return out

if __name__ == "__main__":
    import jax
    _d = setup_inputs()
    print(jax.jit(kernel)(*tuple(_d.values())))

</pallas_src>

<mosaic_0001>
#map = affine_map<(d0, d1) -> (0)>
module attributes {stable_mosaic.version = 14 : i64} {
  func.func @_sc_body(%arg0: i32, %arg1: i32, %arg2: memref<6291456xi32, #tpu.memory_space<hbm>>, %arg3: memref<25165824xf32, #tpu.memory_space<hbm>>, %arg4: memref<6291456xf32, #tpu.memory_space<hbm>>, %arg5: memref<6144xi32, #tpu.memory_space<vmem>>, %arg6: memref<6144xf32, #tpu.memory_space<vmem>>, %arg7: memref<786432xf32, #tpu.memory_space<vmem_shared>>, %arg8: memref<786432xf32, #tpu.memory_space<vmem_shared>>, %arg9: memref<!tpu.dma_semaphore, #tpu.memory_space<semaphore_mem>>, %arg10: memref<!tpu.dma_semaphore, #tpu.memory_space<semaphore_mem>>) attributes {dimension_semantics = [#tpu.dimension_semantics<core_parallel>, #tpu.dimension_semantics<subcore_parallel>], iteration_bounds = array<i64: 2, 16>, scalar_prefetch = 0 : i64, scratch_operands = 6 : i64, tpu.core_type = #tpu.core_type<sc_vector_subcore>, window_params = [{transform_indices = #map}, {transform_indices = #map}, {transform_indices = #map}]} {
    %mul3A = arith.constant 16 : i32
    %mul3A_0 = arith.muli %arg0, %mul3A : i32
    %add3A = arith.constant 0 : i32
    %add3A_1 = arith.addi %mul3A_0, %add3A : i32
    %mul3A_2 = arith.constant 786432 : i32
    %mul3A_3 = arith.muli %add3A_1, %mul3A_2 : i32
    %mul3A_4 = arith.constant 49152 : i32
    %mul3A_5 = arith.muli %arg1, %mul3A_4 : i32
    %add3A_6 = arith.addi %mul3A_3, %mul3A_5 : i32
    %mul3A_7 = arith.constant 49152 : i32
    %mul3A_8 = arith.muli %arg1, %mul3A_7 : i32
    %dma_start3A = tpu.memref_slice %arg7[%mul3A_8] : memref<786432xf32, #tpu.memory_space<vmem_shared>> -> memref<49152xf32, #tpu.memory_space<vmem_shared>>
    %dma_start3A_9 = tpu.memref_slice %arg3[%add3A_6] : memref<25165824xf32, #tpu.memory_space<hbm>> -> memref<49152xf32, #tpu.memory_space<hbm>>
    tpu.enqueue_dma source(%dma_start3A_9 : memref<49152xf32, #tpu.memory_space<hbm>>) target(%dma_start3A : memref<49152xf32, #tpu.memory_space<vmem_shared>>) target_semaphore(%arg10 : memref<!tpu.dma_semaphore, #tpu.memory_space<semaphore_mem>>)
    %add3A_10 = arith.constant 0 : i32
    %add3A_11 = arith.addi %mul3A_0, %add3A_10 : i32
    %mul3A_12 = arith.constant 786432 : i32
    %mul3A_13 = arith.muli %add3A_11, %mul3A_12 : i32
    %mul3A_14 = arith.constant 49152 : i32
    %mul3A_15 = arith.muli %arg1, %mul3A_14 : i32
    %add3A_16 = arith.addi %mul3A_13, %mul3A_15 : i32
    %mul3A_17 = arith.constant 49152 : i32
    %mul3A_18 = arith.muli %arg1, %mul3A_17 : i32
    %dma_wait3A = tpu.memref_slice %arg7[%mul3A_18] : memref<786432xf32, #tpu.memory_space<vmem_shared>> -> memref<49152xf32, #tpu.memory_space<vmem_shared>>
    %dma_wait3A_19 = tpu.memref_slice %arg3[%add3A_16] : memref<25165824xf32, #tpu.memory_space<hbm>> -> memref<49152xf32, #tpu.memory_space<hbm>>
    tpu.wait_dma2 semaphore(%arg10 : memref<!tpu.dma_semaphore, #tpu.memory_space<semaphore_mem>>) src(%dma_wait3A_19 : memref<49152xf32, #tpu.memory_space<hbm>>) dst(%dma_wait3A : memref<49152xf32, #tpu.memory_space<vmem_shared>>)
    %barrier3A = arith.constant 0 : index
    tpu.barrier barrier_id(%barrier3A)
    %scan3A = arith.constant 0 : i32
    %scan3A_20 = arith.constant 0 : i32
    %scan3A_21 = arith.constant 8 : i32
    %scan3A_22 = arith.addi %scan3A_20, %scan3A_21 : i32
    %scan3A_23 = arith.constant 1 : i32
    scf.for %scan3A_25 = %scan3A_20 to %scan3A_22 step %scan3A_23  : i32 {
      %mul3A_26 = arith.constant 2 : i32
      %mul3A_27 = arith.muli %mul3A_26, %scan3A_25 : i32
      %add3A_28 = arith.addi %mul3A_0, %mul3A_27 : i32
      %mul3A_29 = arith.constant 8192 : i32
      %mul3A_30 = arith.muli %add3A_28, %mul3A_29 : i32
      %mul3A_31 = arith.constant 512 : i32
      %mul3A_32 = arith.muli %arg1, %mul3A_31 : i32
      %add3A_33 = arith.addi %mul3A_30, %mul3A_32 : i32
      %mul3A_34 = arith.constant 24 : i32
      %mul3A_35 = arith.muli %add3A_33, %mul3A_34 : i32
      %add3A_36 = arith.constant 1 : i32
      %add3A_37 = arith.addi %mul3A_27, %add3A_36 : i32
      %lt3A = arith.constant 16 : i32
      %lt3A_38 = arith.cmpi slt, %add3A_37, %lt3A : i32
      %convert_element_type3A = arith.extui %lt3A_38 : i1 to i32
      %cond3A = arith.constant 0 : i32
      %cond3A_39 = arith.cmpi ne, %convert_element_type3A, %cond3A : i32
      scf.if %cond3A_39 {
        %add3A_87 = arith.constant 1 : i32
        %add3A_88 = arith.addi %mul3A_27, %add3A_87 : i32
        %add3A_89 = arith.addi %mul3A_0, %add3A_88 : i32
        %mul3A_90 = arith.constant 786432 : i32
        %mul3A_91 = arith.muli %add3A_89, %mul3A_90 : i32
        %mul3A_92 = arith.constant 49152 : i32
        %mul3A_93 = arith.muli %arg1, %mul3A_92 : i32
        %add3A_94 = arith.addi %mul3A_91, %mul3A_93 : i32
        %mul3A_95 = arith.constant 49152 : i32
        %mul3A_96 = arith.muli %arg1, %mul3A_95 : i32
        %dma_start3A_97 = tpu.memref_slice %arg8[%mul3A_96] : memref<786432xf32, #tpu.memory_space<vmem_shared>> -> memref<49152xf32, #tpu.memory_space<vmem_shared>>
        %dma_start3A_98 = tpu.memref_slice %arg3[%add3A_94] : memref<25165824xf32, #tpu.memory_space<hbm>> -> memref<49152xf32, #tpu.memory_space<hbm>>
        tpu.enqueue_dma source(%dma_start3A_98 : memref<49152xf32, #tpu.memory_space<hbm>>) target(%dma_start3A_97 : memref<49152xf32, #tpu.memory_space<vmem_shared>>) target_semaphore(%arg10 : memref<!tpu.dma_semaphore, #tpu.memory_space<semaphore_mem>>)
      } else {
      }
      %scan3A_40 = arith.constant 0 : i32
      %scan3A_41 = arith.constant 0 : i32
      %scan3A_42 = arith.constant 2 : i32
      %scan3A_43 = arith.addi %scan3A_41, %scan3A_42 : i32
      %scan3A_44 = arith.constant 1 : i32
      scf.for %scan3A_87 = %scan3A_41 to %scan3A_43 step %scan3A_44  : i32 {
        %mul3A_88 = arith.constant 6144 : i32
        %mul3A_89 = arith.muli %scan3A_87, %mul3A_88 : i32
        %add3A_90 = arith.addi %mul3A_35, %mul3A_89 : i32
        "tpu.region"() ({
          %run_scoped3A = tpu.sem_alloc : memref<!tpu.dma_semaphore, #tpu.memory_space<semaphore_mem>>
          %dma_start3A_99 = tpu.memref_slice %arg2[%add3A_90] : memref<6291456xi32, #tpu.memory_space<hbm>> -> memref<6144xi32, #tpu.memory_space<hbm>>
          %dma_start3A_100 = tpu.memref_slice %arg2[%add3A_90] : memref<6291456xi32, #tpu.memory_space<hbm>> -> memref<6144xi32, #tpu.memory_space<hbm>>
          tpu.enqueue_dma source(%dma_start3A_100 : memref<6144xi32, #tpu.memory_space<hbm>>) target(%arg5 : memref<6144xi32, #tpu.memory_space<vmem>>) target_semaphore(%run_scoped3A : memref<!tpu.dma_semaphore, #tpu.memory_space<semaphore_mem>>)
          %dma_wait3A_101 = tpu.memref_slice %arg2[%add3A_90] : memref<6291456xi32, #tpu.memory_space<hbm>> -> memref<6144xi32, #tpu.memory_space<hbm>>
          %dma_wait3A_102 = tpu.memref_slice %arg2[%add3A_90] : memref<6291456xi32, #tpu.memory_space<hbm>> -> memref<6144xi32, #tpu.memory_space<hbm>>
          tpu.wait_dma2 semaphore(%run_scoped3A : memref<!tpu.dma_semaphore, #tpu.memory_space<semaphore_mem>>) src(%dma_wait3A_102 : memref<6144xi32, #tpu.memory_space<hbm>>) dst(%arg5 : memref<6144xi32, #tpu.memory_space<vmem>>)
          tpu.yield
        }) : () -> ()
        %dma_start3A_91 = arith.constant 0 : i32
        %dma_start3A_92 = tpu.memref_slice %arg5[%dma_start3A_91] : memref<6144xi32, #tpu.memory_space<vmem>> -> memref<6144xi32, #tpu.memory_space<vmem>>
        %dma_start3A_93 = arith.constant 0 : i32
        %dma_start3A_94 = tpu.memref_slice %arg7[%dma_start3A_93] : memref<786432xf32, #tpu.memory_space<vmem_shared>> -> memref<786432xf32, #tpu.memory_space<vmem_shared>>
        tpu.enqueue_indirect_dma source(%dma_start3A_94 : memref<786432xf32, #tpu.memory_space<vmem_shared>>) target(%arg6 : memref<6144xf32, #tpu.memory_space<vmem>>) offsets(%dma_start3A_92 : memref<6144xi32, #tpu.memory_space<vmem>>) semaphore(%arg9 : memref<!tpu.dma_semaphore, #tpu.memory_space<semaphore_mem>>)
        %dma_wait3A_95 = arith.constant 0 : i32
        %dma_wait3A_96 = tpu.memref_slice %arg5[%dma_wait3A_95] : memref<6144xi32, #tpu.memory_space<vmem>> -> memref<6144xi32, #tpu.memory_space<vmem>>
        %dma_wait3A_97 = arith.constant 0 : i32
        %dma_wait3A_98 = tpu.memref_slice %arg7[%dma_wait3A_97] : memref<786432xf32, #tpu.memory_space<vmem_shared>> -> memref<786432xf32, #tpu.memory_space<vmem_shared>>
        tpu.wait_indirect_dma semaphore(%arg9 : memref<!tpu.dma_semaphore, #tpu.memory_space<semaphore_mem>>) src(%dma_wait3A_98 : memref<786432xf32, #tpu.memory_space<vmem_shared>>) dst(%arg6 : memref<6144xf32, #tpu.memory_space<vmem>>)
        "tpu.region"() ({
          %run_scoped3A = tpu.sem_alloc : memref<!tpu.dma_semaphore, #tpu.memory_space<semaphore_mem>>
          %dma_start3A_99 = tpu.memref_slice %arg4[%add3A_90] : memref<6291456xf32, #tpu.memory_space<hbm>> -> memref<6144xf32, #tpu.memory_space<hbm>>
          %dma_start3A_100 = tpu.memref_slice %arg4[%add3A_90] : memref<6291456xf32, #tpu.memory_space<hbm>> -> memref<6144xf32, #tpu.memory_space<hbm>>
          tpu.enqueue_dma source(%arg6 : memref<6144xf32, #tpu.memory_space<vmem>>) target(%dma_start3A_100 : memref<6144xf32, #tpu.memory_space<hbm>>) target_semaphore(%run_scoped3A : memref<!tpu.dma_semaphore, #tpu.memory_space<semaphore_mem>>)
          %dma_wait3A_101 = tpu.memref_slice %arg4[%add3A_90] : memref<6291456xf32, #tpu.memory_space<hbm>> -> memref<6144xf32, #tpu.memory_space<hbm>>
          %dma_wait3A_102 = tpu.memref_slice %arg4[%add3A_90] : memref<6291456xf32, #tpu.memory_space<hbm>> -> memref<6144xf32, #tpu.memory_space<hbm>>
          tpu.wait_dma2 semaphore(%run_scoped3A : memref<!tpu.dma_semaphore, #tpu.memory_space<semaphore_mem>>) src(%arg6 : memref<6144xf32, #tpu.memory_space<vmem>>) dst(%dma_wait3A_102 : memref<6144xf32, #tpu.memory_space<hbm>>)
          tpu.yield
        }) : () -> ()
      }
      %scan3A_45 = arith.constant 2 : i32
      %add3A_46 = arith.constant 1 : i32
      %add3A_47 = arith.addi %mul3A_27, %add3A_46 : i32
      %lt3A_48 = arith.constant 16 : i32
      %lt3A_49 = arith.cmpi slt, %add3A_47, %lt3A_48 : i32
      %convert_element_type3A_50 = arith.extui %lt3A_49 : i1 to i32
      %cond3A_51 = arith.constant 0 : i32
      %cond3A_52 = arith.cmpi ne, %convert_element_type3A_50, %cond3A_51 : i32
      scf.if %cond3A_52 {
        %add3A_87 = arith.constant 1 : i32
        %add3A_88 = arith.addi %mul3A_27, %add3A_87 : i32
        %add3A_89 = arith.addi %mul3A_0, %add3A_88 : i32
        %mul3A_90 = arith.constant 786432 : i32
        %mul3A_91 = arith.muli %add3A_89, %mul3A_90 : i32
        %mul3A_92 = arith.constant 49152 : i32
        %mul3A_93 = arith.muli %arg1, %mul3A_92 : i32
        %add3A_94 = arith.addi %mul3A_91, %mul3A_93 : i32
        %mul3A_95 = arith.constant 49152 : i32
        %mul3A_96 = arith.muli %arg1, %mul3A_95 : i32
        %dma_wait3A_97 = tpu.memref_slice %arg8[%mul3A_96] : memref<786432xf32, #tpu.memory_space<vmem_shared>> -> memref<49152xf32, #tpu.memory_space<vmem_shared>>
        %dma_wait3A_98 = tpu.memref_slice %arg3[%add3A_94] : memref<25165824xf32, #tpu.memory_space<hbm>> -> memref<49152xf32, #tpu.memory_space<hbm>>
        tpu.wait_dma2 semaphore(%arg10 : memref<!tpu.dma_semaphore, #tpu.memory_space<semaphore_mem>>) src(%dma_wait3A_98 : memref<49152xf32, #tpu.memory_space<hbm>>) dst(%dma_wait3A_97 : memref<49152xf32, #tpu.memory_space<vmem_shared>>)
      } else {
      }
      %barrier3A_53 = arith.constant 0 : index
      tpu.barrier barrier_id(%barrier3A_53)
      %mul3A_54 = arith.constant 2 : i32
      %mul3A_55 = arith.muli %mul3A_54, %scan3A_25 : i32
      %add3A_56 = arith.constant 1 : i32
      %add3A_57 = arith.addi %mul3A_55, %add3A_56 : i32
      %add3A_58 = arith.addi %mul3A_0, %add3A_57 : i32
      %mul3A_59 = arith.constant 8192 : i32
      %mul3A_60 = arith.muli %add3A_58, %mul3A_59 : i32
      %mul3A_61 = arith.constant 512 : i32
      %mul3A_62 = arith.muli %arg1, %mul3A_61 : i32
      %add3A_63 = arith.addi %mul3A_60, %mul3A_62 : i32
      %mul3A_64 = arith.constant 24 : i32
      %mul3A_65 = arith.muli %add3A_63, %mul3A_64 : i32
      %add3A_66 = arith.constant 1 : i32
      %add3A_67 = arith.addi %add3A_57, %add3A_66 : i32
      %lt3A_68 = arith.constant 16 : i32
      %lt3A_69 = arith.cmpi slt, %add3A_67, %lt3A_68 : i32
      %convert_element_type3A_70 = arith.extui %lt3A_69 : i1 to i32
      %cond3A_71 = arith.constant 0 : i32
      %cond3A_72 = arith.cmpi ne, %convert_element_type3A_70, %cond3A_71 : i32
      scf.if %cond3A_72 {
        %add3A_87 = arith.constant 1 : i32
        %add3A_88 = arith.addi %add3A_57, %add3A_87 : i32
        %add3A_89 = arith.addi %mul3A_0, %add3A_88 : i32
        %mul3A_90 = arith.constant 786432 : i32
        %mul3A_91 = arith.muli %add3A_89, %mul3A_90 : i32
        %mul3A_92 = arith.constant 49152 : i32
        %mul3A_93 = arith.muli %arg1, %mul3A_92 : i32
        %add3A_94 = arith.addi %mul3A_91, %mul3A_93 : i32
        %mul3A_95 = arith.constant 49152 : i32
        %mul3A_96 = arith.muli %arg1, %mul3A_95 : i32
        %dma_start3A_97 = tpu.memref_slice %arg7[%mul3A_96] : memref<786432xf32, #tpu.memory_space<vmem_shared>> -> memref<49152xf32, #tpu.memory_space<vmem_shared>>
        %dma_start3A_98 = tpu.memref_slice %arg3[%add3A_94] : memref<25165824xf32, #tpu.memory_space<hbm>> -> memref<49152xf32, #tpu.memory_space<hbm>>
        tpu.enqueue_dma source(%dma_start3A_98 : memref<49152xf32, #tpu.memory_space<hbm>>) target(%dma_start3A_97 : memref<49152xf32, #tpu.memory_space<vmem_shared>>) target_semaphore(%arg10 : memref<!tpu.dma_semaphore, #tpu.memory_space<semaphore_mem>>)
      } else {
      }
      %scan3A_73 = arith.constant 0 : i32
      %scan3A_74 = arith.constant 0 : i32
      %scan3A_75 = arith.constant 2 : i32
      %scan3A_76 = arith.addi %scan3A_74, %scan3A_75 : i32
      %scan3A_77 = arith.constant 1 : i32
      scf.for %scan3A_87 = %scan3A_74 to %scan3A_76 step %scan3A_77  : i32 {
        %mul3A_88 = arith.constant 6144 : i32
        %mul3A_89 = arith.muli %scan3A_87, %mul3A_88 : i32
        %add3A_90 = arith.addi %mul3A_65, %mul3A_89 : i32
        "tpu.region"() ({
          %run_scoped3A = tpu.sem_alloc : memref<!tpu.dma_semaphore, #tpu.memory_space<semaphore_mem>>
          %dma_start3A_99 = tpu.memref_slice %arg2[%add3A_90] : memref<6291456xi32, #tpu.memory_space<hbm>> -> memref<6144xi32, #tpu.memory_space<hbm>>
          %dma_start3A_100 = tpu.memref_slice %arg2[%add3A_90] : memref<6291456xi32, #tpu.memory_space<hbm>> -> memref<6144xi32, #tpu.memory_space<hbm>>
          tpu.enqueue_dma source(%dma_start3A_100 : memref<6144xi32, #tpu.memory_space<hbm>>) target(%arg5 : memref<6144xi32, #tpu.memory_space<vmem>>) target_semaphore(%run_scoped3A : memref<!tpu.dma_semaphore, #tpu.memory_space<semaphore_mem>>)
          %dma_wait3A_101 = tpu.memref_slice %arg2[%add3A_90] : memref<6291456xi32, #tpu.memory_space<hbm>> -> memref<6144xi32, #tpu.memory_space<hbm>>
          %dma_wait3A_102 = tpu.memref_slice %arg2[%add3A_90] : memref<6291456xi32, #tpu.memory_space<hbm>> -> memref<6144xi32, #tpu.memory_space<hbm>>
          tpu.wait_dma2 semaphore(%run_scoped3A : memref<!tpu.dma_semaphore, #tpu.memory_space<semaphore_mem>>) src(%dma_wait3A_102 : memref<6144xi32, #tpu.memory_space<hbm>>) dst(%arg5 : memref<6144xi32, #tpu.memory_space<vmem>>)
          tpu.yield
        }) : () -> ()
        %dma_start3A_91 = arith.constant 0 : i32
        %dma_start3A_92 = tpu.memref_slice %arg5[%dma_start3A_91] : memref<6144xi32, #tpu.memory_space<vmem>> -> memref<6144xi32, #tpu.memory_space<vmem>>
        %dma_start3A_93 = arith.constant 0 : i32
        %dma_start3A_94 = tpu.memref_slice %arg8[%dma_start3A_93] : memref<786432xf32, #tpu.memory_space<vmem_shared>> -> memref<786432xf32, #tpu.memory_space<vmem_shared>>
        tpu.enqueue_indirect_dma source(%dma_start3A_94 : memref<786432xf32, #tpu.memory_space<vmem_shared>>) target(%arg6 : memref<6144xf32, #tpu.memory_space<vmem>>) offsets(%dma_start3A_92 : memref<6144xi32, #tpu.memory_space<vmem>>) semaphore(%arg9 : memref<!tpu.dma_semaphore, #tpu.memory_space<semaphore_mem>>)
        %dma_wait3A_95 = arith.constant 0 : i32
        %dma_wait3A_96 = tpu.memref_slice %arg5[%dma_wait3A_95] : memref<6144xi32, #tpu.memory_space<vmem>> -> memref<6144xi32, #tpu.memory_space<vmem>>
        %dma_wait3A_97 = arith.constant 0 : i32
        %dma_wait3A_98 = tpu.memref_slice %arg8[%dma_wait3A_97] : memref<786432xf32, #tpu.memory_space<vmem_shared>> -> memref<786432xf32, #tpu.memory_space<vmem_shared>>
        tpu.wait_indirect_dma semaphore(%arg9 : memref<!tpu.dma_semaphore, #tpu.memory_space<semaphore_mem>>) src(%dma_wait3A_98 : memref<786432xf32, #tpu.memory_space<vmem_shared>>) dst(%arg6 : memref<6144xf32, #tpu.memory_space<vmem>>)
        "tpu.region"() ({
          %run_scoped3A = tpu.sem_alloc : memref<!tpu.dma_semaphore, #tpu.memory_space<semaphore_mem>>
          %dma_start3A_99 = tpu.memref_slice %arg4[%add3A_90] : memref<6291456xf32, #tpu.memory_space<hbm>> -> memref<6144xf32, #tpu.memory_space<hbm>>
          %dma_start3A_100 = tpu.memref_slice %arg4[%add3A_90] : memref<6291456xf32, #tpu.memory_space<hbm>> -> memref<6144xf32, #tpu.memory_space<hbm>>
          tpu.enqueue_dma source(%arg6 : memref<6144xf32, #tpu.memory_space<vmem>>) target(%dma_start3A_100 : memref<6144xf32, #tpu.memory_space<hbm>>) target_semaphore(%run_scoped3A : memref<!tpu.dma_semaphore, #tpu.memory_space<semaphore_mem>>)
          %dma_wait3A_101 = tpu.memref_slice %arg4[%add3A_90] : memref<6291456xf32, #tpu.memory_space<hbm>> -> memref<6144xf32, #tpu.memory_space<hbm>>
          %dma_wait3A_102 = tpu.memref_slice %arg4[%add3A_90] : memref<6291456xf32, #tpu.memory_space<hbm>> -> memref<6144xf32, #tpu.memory_space<hbm>>
          tpu.wait_dma2 semaphore(%run_scoped3A : memref<!tpu.dma_semaphore, #tpu.memory_space<semaphore_mem>>) src(%arg6 : memref<6144xf32, #tpu.memory_space<vmem>>) dst(%dma_wait3A_102 : memref<6144xf32, #tpu.memory_space<hbm>>)
          tpu.yield
        }) : () -> ()
      }
      %scan3A_78 = arith.constant 2 : i32
      %add3A_79 = arith.constant 1 : i32
      %add3A_80 = arith.addi %add3A_57, %add3A_79 : i32
      %lt3A_81 = arith.constant 16 : i32
      %lt3A_82 = arith.cmpi slt, %add3A_80, %lt3A_81 : i32
      %convert_element_type3A_83 = arith.extui %lt3A_82 : i1 to i32
      %cond3A_84 = arith.constant 0 : i32
      %cond3A_85 = arith.cmpi ne, %convert_element_type3A_83, %cond3A_84 : i32
      scf.if %cond3A_85 {
        %add3A_87 = arith.constant 1 : i32
        %add3A_88 = arith.addi %add3A_57, %add3A_87 : i32
        %add3A_89 = arith.addi %mul3A_0, %add3A_88 : i32
        %mul3A_90 = arith.constant 786432 : i32
        %mul3A_91 = arith.muli %add3A_89, %mul3A_90 : i32
        %mul3A_92 = arith.constant 49152 : i32
        %mul3A_93 = arith.muli %arg1, %mul3A_92 : i32
        %add3A_94 = arith.addi %mul3A_91, %mul3A_93 : i32
        %mul3A_95 = arith.constant 49152 : i32
        %mul3A_96 = arith.muli %arg1, %mul3A_95 : i32
        %dma_wait3A_97 = tpu.memref_slice %arg7[%mul3A_96] : memref<786432xf32, #tpu.memory_space<vmem_shared>> -> memref<49152xf32, #tpu.memory_space<vmem_shared>>
        %dma_wait3A_98 = tpu.memref_slice %arg3[%add3A_94] : memref<25165824xf32, #tpu.memory_space<hbm>> -> memref<49152xf32, #tpu.memory_space<hbm>>
        tpu.wait_dma2 semaphore(%arg10 : memref<!tpu.dma_semaphore, #tpu.memory_space<semaphore_mem>>) src(%dma_wait3A_98 : memref<49152xf32, #tpu.memory_space<hbm>>) dst(%dma_wait3A_97 : memref<49152xf32, #tpu.memory_space<vmem_shared>>)
      } else {
      }
      %barrier3A_86 = arith.constant 0 : index
      tpu.barrier barrier_id(%barrier3A_86)
    }
    %scan3A_24 = arith.constant 8 : i32
    return
  }
}

module attributes {stable_mosaic.version = 14 : i64} {
  func.func @_tc_idx_body(%arg0: i32, %arg1: memref<1x3x16xf32, #tpu.memory_space<vmem>>, %arg2: memref<1x3x8192xf32, #tpu.memory_space<vmem>>, %arg3: memref<1x24x8192xi32, #tpu.memory_space<vmem>>, %arg4: memref<1x3x8192xf32, #tpu.memory_space<vmem>>) attributes {dimension_semantics = [#tpu.dimension_semantics<arbitrary>], iteration_bounds = array<i64: 32>, scalar_prefetch = 0 : i64, scratch_operands = 0 : i64, tpu.core_type = #tpu.core_type<tc>, window_params = [{transform_indices = @transform_0, window_bounds = array<i64: 1, 3, 16>}, {transform_indices = @transform_1, window_bounds = array<i64: 1, 3, 8192>}, {transform_indices = @transform_2, window_bounds = array<i64: 1, 24, 8192>}, {transform_indices = @transform_3, window_bounds = array<i64: 1, 3, 8192>}]} {
    %get3A = arith.constant 0 : index
    %get3A_0 = arith.constant 0 : index
    %get3A_1 = arith.constant 0 : index
    %get3A_2 = vector.load %arg1[%get3A, %get3A_0, %get3A_1] : memref<1x3x16xf32, #tpu.memory_space<vmem>>, vector<1x3x16xf32>
    %get3A_3 = vector.shape_cast %get3A_2 : vector<1x3x16xf32> to vector<3x16xf32>
    %slice3A = vector.extract_strided_slice %get3A_3 {offsets = [0, 0], sizes = [3, 1], strides = [1, 1]} : vector<3x16xf32> to vector<3x1xf32>
    %slice3A_4 = vector.extract_strided_slice %get3A_3 {offsets = [0, 1], sizes = [3, 1], strides = [1, 1]} : vector<3x16xf32> to vector<3x1xf32>
    %slice3A_5 = vector.extract_strided_slice %get3A_3 {offsets = [0, 2], sizes = [3, 1], strides = [1, 1]} : vector<3x16xf32> to vector<3x1xf32>
    %slice3A_6 = vector.extract_strided_slice %get3A_3 {offsets = [0, 3], sizes = [1, 1], strides = [1, 1]} : vector<3x16xf32> to vector<1x1xf32>
    %get3A_7 = arith.constant 0 : index
    %get3A_8 = arith.constant 0 : index
    %get3A_9 = arith.constant 0 : index
    %get3A_10 = vector.load %arg2[%get3A_7, %get3A_8, %get3A_9] : memref<1x3x8192xf32, #tpu.memory_space<vmem>>, vector<1x3x8192xf32>
    %get3A_11 = vector.shape_cast %get3A_10 : vector<1x3x8192xf32> to vector<3x8192xf32>
    %sub3A = vector.broadcast %slice3A : vector<3x1xf32> to vector<3x8192xf32>
    %sub3A_12 = arith.subf %get3A_11, %sub3A : vector<3x8192xf32>
    %slice3A_13 = vector.extract_strided_slice %sub3A_12 {offsets = [0, 0], sizes = [1, 8192], strides = [1, 1]} : vector<3x8192xf32> to vector<1x8192xf32>
    %slice3A_14 = vector.extract_strided_slice %sub3A_12 {offsets = [0, 0], sizes = [1, 8192], strides = [1, 1]} : vector<3x8192xf32> to vector<1x8192xf32>
    %mul3A = arith.mulf %slice3A_13, %slice3A_14 : vector<1x8192xf32>
    %slice3A_15 = vector.extract_strided_slice %sub3A_12 {offsets = [1, 0], sizes = [1, 8192], strides = [1, 1]} : vector<3x8192xf32> to vector<1x8192xf32>
    %slice3A_16 = vector.extract_strided_slice %sub3A_12 {offsets = [1, 0], sizes = [1, 8192], strides = [1, 1]} : vector<3x8192xf32> to vector<1x8192xf32>
    %mul3A_17 = arith.mulf %slice3A_15, %slice3A_16 : vector<1x8192xf32>
    %add3A = arith.addf %mul3A, %mul3A_17 : vector<1x8192xf32>
    %slice3A_18 = vector.extract_strided_slice %sub3A_12 {offsets = [2, 0], sizes = [1, 8192], strides = [1, 1]} : vector<3x8192xf32> to vector<1x8192xf32>
    %slice3A_19 = vector.extract_strided_slice %sub3A_12 {offsets = [2, 0], sizes = [1, 8192], strides = [1, 1]} : vector<3x8192xf32> to vector<1x8192xf32>
    %mul3A_20 = arith.mulf %slice3A_18, %slice3A_19 : vector<1x8192xf32>
    %add3A_21 = arith.addf %add3A, %mul3A_20 : vector<1x8192xf32>
    %sqrt3A = math.sqrt %add3A_21 : vector<1x8192xf32>
    %div3A = vector.broadcast %slice3A_6 : vector<1x1xf32> to vector<1x8192xf32>
    %div3A_22 = arith.divf %sqrt3A, %div3A : vector<1x8192xf32>
    %max3A = arith.constant 1.000000e+00 : f32
    %max3A_23 = vector.broadcast %max3A : f32 to vector<1x8192xf32>
    %max3A_24 = arith.maximumf %div3A_22, %max3A_23 : vector<1x8192xf32>
    %div3A_25 = vector.broadcast %max3A_24 : vector<1x8192xf32> to vector<3x8192xf32>
    %div3A_26 = arith.divf %sub3A_12, %div3A_25 : vector<3x8192xf32>
    %add3A_27 = vector.broadcast %slice3A_4 : vector<3x1xf32> to vector<3x8192xf32>
    %add3A_28 = arith.addf %div3A_26, %add3A_27 : vector<3x8192xf32>
    %div3A_29 = vector.broadcast %slice3A_5 : vector<3x1xf32> to vector<3x8192xf32>
    %div3A_30 = arith.divf %add3A_28, %div3A_29 : vector<3x8192xf32>
    %convert_element_type3A = arith.fptosi %div3A_30 : vector<3x8192xf32> to vector<3x8192xi32>
    %convert_element_type3A_31 = arith.sitofp %convert_element_type3A : vector<3x8192xi32> to vector<3x8192xf32>
    %sub3A_32 = arith.subf %div3A_30, %convert_element_type3A_31 : vector<3x8192xf32>
    %swap3A = arith.constant 0 : index
    %swap3A_33 = arith.constant 0 : index
    %swap3A_34 = arith.constant 0 : index
    %swap3A_35 = vector.load %arg4[%swap3A, %swap3A_33, %swap3A_34] : memref<1x3x8192xf32, #tpu.memory_space<vmem>>, vector<1x3x8192xf32>
    %swap3A_36 = vector.shape_cast %swap3A_35 : vector<1x3x8192xf32> to vector<3x8192xf32>
    %swap3A_37 = vector.shape_cast %sub3A_32 : vector<3x8192xf32> to vector<1x3x8192xf32>
    tpu.vector_store %arg4[%swap3A, %swap3A_33, %swap3A_34], %swap3A_37 {strides = array<i32>} : memref<1x3x8192xf32, #tpu.memory_space<vmem>>, vector<1x3x8192xf32>,
    %slice3A_38 = vector.extract_strided_slice %convert_element_type3A {offsets = [0, 0], sizes = [1, 8192], strides = [1, 1]} : vector<3x8192xi32> to vector<1x8192xi32>
    %mul3A_39 = arith.constant 64 : i32
    %mul3A_40 = vector.broadcast %mul3A_39 : i32 to vector<1x8192xi32>
    %mul3A_41 = arith.muli %slice3A_38, %mul3A_40 : vector<1x8192xi32>
    %slice3A_42 = vector.extract_strided_slice %convert_element_type3A {offsets = [1, 0], sizes = [1, 8192], strides = [1, 1]} : vector<3x8192xi32> to vector<1x8192xi32>
    %add3A_43 = arith.addi %mul3A_41, %slice3A_42 : vector<1x8192xi32>
    %mul3A_44 = arith.constant 64 : i32
    %mul3A_45 = vector.broadcast %mul3A_44 : i32 to vector<1x8192xi32>
    %mul3A_46 = arith.muli %add3A_43, %mul3A_45 : vector<1x8192xi32>
    %slice3A_47 = vector.extract_strided_slice %convert_element_type3A {offsets = [2, 0], sizes = [1, 8192], strides = [1, 1]} : vector<3x8192xi32> to vector<1x8192xi32>
    %add3A_48 = arith.addi %mul3A_46, %slice3A_47 : vector<1x8192xi32>
    %mul3A_49 = arith.constant 3 : i32
    %mul3A_50 = vector.broadcast %mul3A_49 : i32 to vector<1x8192xi32>
    %mul3A_51 = arith.muli %add3A_48, %mul3A_50 : vector<1x8192xi32>
    %add3A_52 = arith.constant 0 : i32
    %add3A_53 = vector.broadcast %add3A_52 : i32 to vector<1x8192xi32>
    %add3A_54 = arith.addi %mul3A_51, %add3A_53 : vector<1x8192xi32>
    %swap3A_55 = arith.constant 0 : index
    %swap3A_56 = arith.constant 0 : index
    %swap3A_57 = arith.constant 0 : index
    %swap3A_58 = vector.load %arg3[%swap3A_55, %swap3A_56, %swap3A_57] : memref<1x24x8192xi32, #tpu.memory_space<vmem>>, vector<1x1x8192xi32>
    %swap3A_59 = vector.shape_cast %swap3A_58 : vector<1x1x8192xi32> to vector<1x8192xi32>
    %swap3A_60 = vector.shape_cast %add3A_54 : vector<1x8192xi32> to vector<1x1x8192xi32>
    tpu.vector_store %arg3[%swap3A_55, %swap3A_56, %swap3A_57], %swap3A_60 {strides = array<i32>} : memref<1x24x8192xi32, #tpu.memory_space<vmem>>, vector<1x1x8192xi32>,
    %add3A_61 = arith.constant 1 : i32
    %add3A_62 = vector.broadcast %add3A_61 : i32 to vector<1x8192xi32>
    %add3A_63 = arith.addi %mul3A_51, %add3A_62 : vector<1x8192xi32>
    %swap3A_64 = arith.constant 0 : index
    %swap3A_65 = arith.constant 1 : index
    %swap3A_66 = arith.constant 0 : index
    %swap3A_67 = vector.load %arg3[%swap3A_64, %swap3A_65, %swap3A_66] : memref<1x24x8192xi32, #tpu.memory_space<vmem>>, vector<1x1x8192xi32>
    %swap3A_68 = vector.shape_cast %swap3A_67 : vector<1x1x8192xi32> to vector<1x8192xi32>
    %swap3A_69 = vector.shape_cast %add3A_63 : vector<1x8192xi32> to vector<1x1x8192xi32>
    tpu.vector_store %arg3[%swap3A_64, %swap3A_65, %swap3A_66], %swap3A_69 {strides = array<i32>} : memref<1x24x8192xi32, #tpu.memory_space<vmem>>, vector<1x1x8192xi32>,
    %add3A_70 = arith.constant 2 : i32
    %add3A_71 = vector.broadcast %add3A_70 : i32 to vector<1x8192xi32>
    %add3A_72 = arith.addi %mul3A_51, %add3A_71 : vector<1x8192xi32>
    %swap3A_73 = arith.constant 0 : index
    %swap3A_74 = arith.constant 2 : index
    %swap3A_75 = arith.constant 0 : index
    %swap3A_76 = vector.load %arg3[%swap3A_73, %swap3A_74, %swap3A_75] : memref<1x24x8192xi32, #tpu.memory_space<vmem>>, vector<1x1x8192xi32>
    %swap3A_77 = vector.shape_cast %swap3A_76 : vector<1x1x8192xi32> to vector<1x8192xi32>
    %swap3A_78 = vector.shape_cast %add3A_72 : vector<1x8192xi32> to vector<1x1x8192xi32>
    tpu.vector_store %arg3[%swap3A_73, %swap3A_74, %swap3A_75], %swap3A_78 {strides = array<i32>} : memref<1x24x8192xi32, #tpu.memory_space<vmem>>, vector<1x1x8192xi32>,
    %add3A_79 = arith.constant 3 : i32
    %add3A_80 = vector.broadcast %add3A_79 : i32 to vector<1x8192xi32>
    %add3A_81 = arith.addi %mul3A_51, %add3A_80 : vector<1x8192xi32>
    %swap3A_82 = arith.constant 0 : index
    %swap3A_83 = arith.constant 3 : index
    %swap3A_84 = arith.constant 0 : index
    %swap3A_85 = vector.load %arg3[%swap3A_82, %swap3A_83, %swap3A_84] : memref<1x24x8192xi32, #tpu.memory_space<vmem>>, vector<1x1x8192xi32>
    %swap3A_86 = vector.shape_cast %swap3A_85 : vector<1x1x8192xi32> to vector<1x8192xi32>
    %swap3A_87 = vector.shape_cast %add3A_81 : vector<1x8192xi32> to vector<1x1x8192xi32>
    tpu.vector_store %arg3[%swap3A_82, %swap3A_83, %swap3A_84], %swap3A_87 {strides = array<i32>} : memref<1x24x8192xi32, #tpu.memory_space<vmem>>, vector<1x1x8192xi32>,
    %add3A_88 = arith.constant 4 : i32
    %add3A_89 = vector.broadcast %add3A_88 : i32 to vector<1x8192xi32>
    %add3A_90 = arith.addi %mul3A_51, %add3A_89 : vector<1x8192xi32>
    %swap3A_91 = arith.constant 0 : index
    %swap3A_92 = arith.constant 4 : index
    %swap3A_93 = arith.constant 0 : index
    %swap3A_94 = vector.load %arg3[%swap3A_91, %swap3A_92, %swap3A_93] : memref<1x24x8192xi32, #tpu.memory_space<vmem>>, vector<1x1x8192xi32>
    %swap3A_95 = vector.shape_cast %swap3A_94 : vector<1x1x8192xi32> to vector<1x8192xi32>
    %swap3A_96 = vector.shape_cast %add3A_90 : vector<1x8192xi32> to vector<1x1x8192xi32>
    tpu.vector_store %arg3[%swap3A_91, %swap3A_92, %swap3A_93], %swap3A_96 {strides = array<i32>} : memref<1x24x8192xi32, #tpu.memory_space<vmem>>, vector<1x1x8192xi32>,
    %add3A_97 = arith.constant 5 : i32
    %add3A_98 = vector.broadcast %add3A_97 : i32 to vector<1x8192xi32>
    %add3A_99 = arith.addi %mul3A_51, %add3A_98 : vector<1x8192xi32>
    %swap3A_100 = arith.constant 0 : index
    %swap3A_101 = arith.constant 5 : index
    %swap3A_102 = arith.constant 0 : index
    %swap3A_103 = vector.load %arg3[%swap3A_100, %swap3A_101, %swap3A_102] : memref<1x24x8192xi32, #tpu.memory_space<vmem>>, vector<1x1x8192xi32>
    %swap3A_104 = vector.shape_cast %swap3A_103 : vector<1x1x8192xi32> to vector<1x8192xi32>
    %swap3A_105 = vector.shape_cast %add3A_99 : vector<1x8192xi32> to vector<1x1x8192xi32>
    tpu.vector_store %arg3[%swap3A_100, %swap3A_101, %swap3A_102], %swap3A_105 {strides = array<i32>} : memref<1x24x8192xi32, #tpu.memory_space<vmem>>, vector<1x1x8192xi32>,
    %add3A_106 = arith.constant 192 : i32
    %add3A_107 = vector.broadcast %add3A_106 : i32 to vector<1x8192xi32>
    %add3A_108 = arith.addi %mul3A_51, %add3A_107 : vector<1x8192xi32>
    %swap3A_109 = arith.constant 0 : index
    %swap3A_110 = arith.constant 6 : index
    %swap3A_111 = arith.constant 0 : index
    %swap3A_112 = vector.load %arg3[%swap3A_109, %swap3A_110, %swap3A_111] : memref<1x24x8192xi32, #tpu.memory_space<vmem>>, vector<1x1x8192xi32>
    %swap3A_113 = vector.shape_cast %swap3A_112 : vector<1x1x8192xi32> to vector<1x8192xi32>
    %swap3A_114 = vector.shape_cast %add3A_108 : vector<1x8192xi32> to vector<1x1x8192xi32>
    tpu.vector_store %arg3[%swap3A_109, %swap3A_110, %swap3A_111], %swap3A_114 {strides = array<i32>} : memref<1x24x8192xi32, #tpu.memory_space<vmem>>, vector<1x1x8192xi32>,
    %add3A_115 = arith.constant 193 : i32
    %add3A_116 = vector.broadcast %add3A_115 : i32 to vector<1x8192xi32>
    %add3A_117 = arith.addi %mul3A_51, %add3A_116 : vector<1x8192xi32>
    %swap3A_118 = arith.constant 0 : index
    %swap3A_119 = arith.constant 7 : index
    %swap3A_120 = arith.constant 0 : index
    %swap3A_121 = vector.load %arg3[%swap3A_118, %swap3A_119, %swap3A_120] : memref<1x24x8192xi32, #tpu.memory_space<vmem>>, vector<1x1x8192xi32>
    %swap3A_122 = vector.shape_cast %swap3A_121 : vector<1x1x8192xi32> to vector<1x8192xi32>
    %swap3A_123 = vector.shape_cast %add3A_117 : vector<1x8192xi32> to vector<1x1x8192xi32>
    tpu.vector_store %arg3[%swap3A_118, %swap3A_119, %swap3A_120], %swap3A_123 {strides = array<i32>} : memref<1x24x8192xi32, #tpu.memory_space<vmem>>, vector<1x1x8192xi32>,
    %add3A_124 = arith.constant 194 : i32
    %add3A_125 = vector.broadcast %add3A_124 : i32 to vector<1x8192xi32>
    %add3A_126 = arith.addi %mul3A_51, %add3A_125 : vector<1x8192xi32>
    %swap3A_127 = arith.constant 0 : index
    %swap3A_128 = arith.constant 8 : index
    %swap3A_129 = arith.constant 0 : index
    %swap3A_130 = vector.load %arg3[%swap3A_127, %swap3A_128, %swap3A_129] : memref<1x24x8192xi32, #tpu.memory_space<vmem>>, vector<1x1x8192xi32>
    %swap3A_131 = vector.shape_cast %swap3A_130 : vector<1x1x8192xi32> to vector<1x8192xi32>
    %swap3A_132 = vector.shape_cast %add3A_126 : vector<1x8192xi32> to vector<1x1x8192xi32>
    tpu.vector_store %arg3[%swap3A_127, %swap3A_128, %swap3A_129], %swap3A_132 {strides = array<i32>} : memref<1x24x8192xi32, #tpu.memory_space<vmem>>, vector<1x1x8192xi32>,
    %add3A_133 = arith.constant 195 : i32
    %add3A_134 = vector.broadcast %add3A_133 : i32 to vector<1x8192xi32>
    %add3A_135 = arith.addi %mul3A_51, %add3A_134 : vector<1x8192xi32>
    %swap3A_136 = arith.constant 0 : index
    %swap3A_137 = arith.constant 9 : index
    %swap3A_138 = arith.constant 0 : index
    %swap3A_139 = vector.load %arg3[%swap3A_136, %swap3A_137, %swap3A_138] : memref<1x24x8192xi32, #tpu.memory_space<vmem>>, vector<1x1x8192xi32>
    %swap3A_140 = vector.shape_cast %swap3A_139 : vector<1x1x8192xi32> to vector<1x8192xi32>
    %swap3A_141 = vector.shape_cast %add3A_135 : vector<1x8192xi32> to vector<1x1x8192xi32>
    tpu.vector_store %arg3[%swap3A_136, %swap3A_137, %swap3A_138], %swap3A_141 {strides = array<i32>} : memref<1x24x8192xi32, #tpu.memory_space<vmem>>, vector<1x1x8192xi32>,
    %add3A_142 = arith.constant 196 : i32
    %add3A_143 = vector.broadcast %add3A_142 : i32 to vector<1x8192xi32>
    %add3A_144 = arith.addi %mul3A_51, %add3A_143 : vector<1x8192xi32>
    %swap3A_145 = arith.constant 0 : index
    %swap3A_146 = arith.constant 10 : index
    %swap3A_147 = arith.constant 0 : index
    %swap3A_148 = vector.load %arg3[%swap3A_145, %swap3A_146, %swap3A_147] : memref<1x24x8192xi32, #tpu.memory_space<vmem>>, vector<1x1x8192xi32>
    %swap3A_149 = vector.shape_cast %swap3A_148 : vector<1x1x8192xi32> to vector<1x8192xi32>
    %swap3A_150 = vector.shape_cast %add3A_144 : vector<1x8192xi32> to vector<1x1x8192xi32>
    tpu.vector_store %arg3[%swap3A_145, %swap3A_146, %swap3A_147], %swap3A_150 {strides = array<i32>} : memref<1x24x8192xi32, #tpu.memory_space<vmem>>, vector<1x1x8192xi32>,
    %add3A_151 = arith.constant 197 : i32
    %add3A_152 = vector.broadcast %add3A_151 : i32 to vector<1x8192xi32>
    %add3A_153 = arith.addi %mul3A_51, %add3A_152 : vector<1x8192xi32>
    %swap3A_154 = arith.constant 0 : index
    %swap3A_155 = arith.constant 11 : index
    %swap3A_156 = arith.constant 0 : index
    %swap3A_157 = vector.load %arg3[%swap3A_154, %swap3A_155, %swap3A_156] : memref<1x24x8192xi32, #tpu.memory_space<vmem>>, vector<1x1x8192xi32>
    %swap3A_158 = vector.shape_cast %swap3A_157 : vector<1x1x8192xi32> to vector<1x8192xi32>
    %swap3A_159 = vector.shape_cast %add3A_153 : vector<1x8192xi32> to vector<1x1x8192xi32>
    tpu.vector_store %arg3[%swap3A_154, %swap3A_155, %swap3A_156], %swap3A_159 {strides = array<i32>} : memref<1x24x8192xi32, #tpu.memory_space<vmem>>, vector<1x1x8192xi32>,
    %add3A_160 = arith.constant 12288 : i32
    %add3A_161 = vector.broadcast %add3A_160 : i32 to vector<1x8192xi32>
    %add3A_162 = arith.addi %mul3A_51, %add3A_161 : vector<1x8192xi32>
    %swap3A_163 = arith.constant 0 : index
    %swap3A_164 = arith.constant 12 : index
    %swap3A_165 = arith.constant 0 : index
    %swap3A_166 = vector.load %arg3[%swap3A_163, %swap3A_164, %swap3A_165] : memref<1x24x8192xi32, #tpu.memory_space<vmem>>, vector<1x1x8192xi32>
    %swap3A_167 = vector.shape_cast %swap3A_166 : vector<1x1x8192xi32> to vector<1x8192xi32>
    %swap3A_168 = vector.shape_cast %add3A_162 : vector<1x8192xi32> to vector<1x1x8192xi32>
    tpu.vector_store %arg3[%swap3A_163, %swap3A_164, %swap3A_165], %swap3A_168 {strides = array<i32>} : memref<1x24x8192xi32, #tpu.memory_space<vmem>>, vector<1x1x8192xi32>,
    %add3A_169 = arith.constant 12289 : i32
    %add3A_170 = vector.broadcast %add3A_169 : i32 to vector<1x8192xi32>
    %add3A_171 = arith.addi %mul3A_51, %add3A_170 : vector<1x8192xi32>
    %swap3A_172 = arith.constant 0 : index
    %swap3A_173 = arith.constant 13 : index
    %swap3A_174 = arith.constant 0 : index
    %swap3A_175 = vector.load %arg3[%swap3A_172, %swap3A_173, %swap3A_174] : memref<1x24x8192xi32, #tpu.memory_space<vmem>>, vector<1x1x8192xi32>
    %swap3A_176 = vector.shape_cast %swap3A_175 : vector<1x1x8192xi32> to vector<1x8192xi32>
    %swap3A_177 = vector.shape_cast %add3A_171 : vector<1x8192xi32> to vector<1x1x8192xi32>
    tpu.vector_store %arg3[%swap3A_172, %swap3A_173, %swap3A_174], %swap3A_177 {strides = array<i32>} : memref<1x24x8192xi32, #tpu.memory_space<vmem>>, vector<1x1x8192xi32>,
    %add3A_178 = arith.constant 12290 : i32
    %add3A_179 = vector.broadcast %add3A_178 : i32 to vector<1x8192xi32>
    %add3A_180 = arith.addi %mul3A_51, %add3A_179 : vector<1x8192xi32>
    %swap3A_181 = arith.constant 0 : index
    %swap3A_182 = arith.constant 14 : index
    %swap3A_183 = arith.constant 0 : index
    %swap3A_184 = vector.load %arg3[%swap3A_181, %swap3A_182, %swap3A_183] : memref<1x24x8192xi32, #tpu.memory_space<vmem>>, vector<1x1x8192xi32>
    %swap3A_185 = vector.shape_cast %swap3A_184 : vector<1x1x8192xi32> to vector<1x8192xi32>
    %swap3A_186 = vector.shape_cast %add3A_180 : vector<1x8192xi32> to vector<1x1x8192xi32>
    tpu.vector_store %arg3[%swap3A_181, %swap3A_182, %swap3A_183], %swap3A_186 {strides = array<i32>} : memref<1x24x8192xi32, #tpu.memory_space<vmem>>, vector<1x1x8192xi32>,
    %add3A_187 = arith.constant 12291 : i32
    %add3A_188 = vector.broadcast %add3A_187 : i32 to vector<1x8192xi32>
    %add3A_189 = arith.addi %mul3A_51, %add3A_188 : vector<1x8192xi32>
    %swap3A_190 = arith.constant 0 : index
    %swap3A_191 = arith.constant 15 : index
    %swap3A_192 = arith.constant 0 : index
    %swap3A_193 = vector.load %arg3[%swap3A_190, %swap3A_191, %swap3A_192] : memref<1x24x8192xi32, #tpu.memory_space<vmem>>, vector<1x1x8192xi32>
    %swap3A_194 = vector.shape_cast %swap3A_193 : vector<1x1x8192xi32> to vector<1x8192xi32>
    %swap3A_195 = vector.shape_cast %add3A_189 : vector<1x8192xi32> to vector<1x1x8192xi32>
    tpu.vector_store %arg3[%swap3A_190, %swap3A_191, %swap3A_192], %swap3A_195 {strides = array<i32>} : memref<1x24x8192xi32, #tpu.memory_space<vmem>>, vector<1x1x8192xi32>,
    %add3A_196 = arith.constant 12292 : i32
    %add3A_197 = vector.broadcast %add3A_196 : i32 to vector<1x8192xi32>
    %add3A_198 = arith.addi %mul3A_51, %add3A_197 : vector<1x8192xi32>
    %swap3A_199 = arith.constant 0 : index
    %swap3A_200 = arith.constant 16 : index
    %swap3A_201 = arith.constant 0 : index
    %swap3A_202 = vector.load %arg3[%swap3A_199, %swap3A_200, %swap3A_201] : memref<1x24x8192xi32, #tpu.memory_space<vmem>>, vector<1x1x8192xi32>
    %swap3A_203 = vector.shape_cast %swap3A_202 : vector<1x1x8192xi32> to vector<1x8192xi32>
    %swap3A_204 = vector.shape_cast %add3A_198 : vector<1x8192xi32> to vector<1x1x8192xi32>
    tpu.vector_store %arg3[%swap3A_199, %swap3A_200, %swap3A_201], %swap3A_204 {strides = array<i32>} : memref<1x24x8192xi32, #tpu.memory_space<vmem>>, vector<1x1x8192xi32>,
    %add3A_205 = arith.constant 12293 : i32
    %add3A_206 = vector.broadcast %add3A_205 : i32 to vector<1x8192xi32>
    %add3A_207 = arith.addi %mul3A_51, %add3A_206 : vector<1x8192xi32>
    %swap3A_208 = arith.constant 0 : index
    %swap3A_209 = arith.constant 17 : index
    %swap3A_210 = arith.constant 0 : index
    %swap3A_211 = vector.load %arg3[%swap3A_208, %swap3A_209, %swap3A_210] : memref<1x24x8192xi32, #tpu.memory_space<vmem>>, vector<1x1x8192xi32>
    %swap3A_212 = vector.shape_cast %swap3A_211 : vector<1x1x8192xi32> to vector<1x8192xi32>
    %swap3A_213 = vector.shape_cast %add3A_207 : vector<1x8192xi32> to vector<1x1x8192xi32>
    tpu.vector_store %arg3[%swap3A_208, %swap3A_209, %swap3A_210], %swap3A_213 {strides = array<i32>} : memref<1x24x8192xi32, #tpu.memory_space<vmem>>, vector<1x1x8192xi32>,
    %add3A_214 = arith.constant 12480 : i32
    %add3A_215 = vector.broadcast %add3A_214 : i32 to vector<1x8192xi32>
    %add3A_216 = arith.addi %mul3A_51, %add3A_215 : vector<1x8192xi32>
    %swap3A_217 = arith.constant 0 : index
    %swap3A_218 = arith.constant 18 : index
    %swap3A_219 = arith.constant 0 : index
    %swap3A_220 = vector.load %arg3[%swap3A_217, %swap3A_218, %swap3A_219] : memref<1x24x8192xi32, #tpu.memory_space<vmem>>, vector<1x1x8192xi32>
    %swap3A_221 = vector.shape_cast %swap3A_220 : vector<1x1x8192xi32> to vector<1x8192xi32>
    %swap3A_222 = vector.shape_cast %add3A_216 : vector<1x8192xi32> to vector<1x1x8192xi32>
    tpu.vector_store %arg3[%swap3A_217, %swap3A_218, %swap3A_219], %swap3A_222 {strides = array<i32>} : memref<1x24x8192xi32, #tpu.memory_space<vmem>>, vector<1x1x8192xi32>,
    %add3A_223 = arith.constant 12481 : i32
    %add3A_224 = vector.broadcast %add3A_223 : i32 to vector<1x8192xi32>
    %add3A_225 = arith.addi %mul3A_51, %add3A_224 : vector<1x8192xi32>
    %swap3A_226 = arith.constant 0 : index
    %swap3A_227 = arith.constant 19 : index
    %swap3A_228 = arith.constant 0 : index
    %swap3A_229 = vector.load %arg3[%swap3A_226, %swap3A_227, %swap3A_228] : memref<1x24x8192xi32, #tpu.memory_space<vmem>>, vector<1x1x8192xi32>
    %swap3A_230 = vector.shape_cast %swap3A_229 : vector<1x1x8192xi32> to vector<1x8192xi32>
    %swap3A_231 = vector.shape_cast %add3A_225 : vector<1x8192xi32> to vector<1x1x8192xi32>
    tpu.vector_store %arg3[%swap3A_226, %swap3A_227, %swap3A_228], %swap3A_231 {strides = array<i32>} : memref<1x24x8192xi32, #tpu.memory_space<vmem>>, vector<1x1x8192xi32>,
    %add3A_232 = arith.constant 12482 : i32
    %add3A_233 = vector.broadcast %add3A_232 : i32 to vector<1x8192xi32>
    %add3A_234 = arith.addi %mul3A_51, %add3A_233 : vector<1x8192xi32>
    %swap3A_235 = arith.constant 0 : index
    %swap3A_236 = arith.constant 20 : index
    %swap3A_237 = arith.constant 0 : index
    %swap3A_238 = vector.load %arg3[%swap3A_235, %swap3A_236, %swap3A_237] : memref<1x24x8192xi32, #tpu.memory_space<vmem>>, vector<1x1x8192xi32>
    %swap3A_239 = vector.shape_cast %swap3A_238 : vector<1x1x8192xi32> to vector<1x8192xi32>
    %swap3A_240 = vector.shape_cast %add3A_234 : vector<1x8192xi32> to vector<1x1x8192xi32>
    tpu.vector_store %arg3[%swap3A_235, %swap3A_236, %swap3A_237], %swap3A_240 {strides = array<i32>} : memref<1x24x8192xi32, #tpu.memory_space<vmem>>, vector<1x1x8192xi32>,
    %add3A_241 = arith.constant 12483 : i32
    %add3A_242 = vector.broadcast %add3A_241 : i32 to vector<1x8192xi32>
    %add3A_243 = arith.addi %mul3A_51, %add3A_242 : vector<1x8192xi32>
    %swap3A_244 = arith.constant 0 : index
    %swap3A_245 = arith.constant 21 : index
    %swap3A_246 = arith.constant 0 : index
    %swap3A_247 = vector.load %arg3[%swap3A_244, %swap3A_245, %swap3A_246] : memref<1x24x8192xi32, #tpu.memory_space<vmem>>, vector<1x1x8192xi32>
    %swap3A_248 = vector.shape_cast %swap3A_247 : vector<1x1x8192xi32> to vector<1x8192xi32>
    %swap3A_249 = vector.shape_cast %add3A_243 : vector<1x8192xi32> to vector<1x1x8192xi32>
    tpu.vector_store %arg3[%swap3A_244, %swap3A_245, %swap3A_246], %swap3A_249 {strides = array<i32>} : memref<1x24x8192xi32, #tpu.memory_space<vmem>>, vector<1x1x8192xi32>,
    %add3A_250 = arith.constant 12484 : i32
    %add3A_251 = vector.broadcast %add3A_250 : i32 to vector<1x8192xi32>
    %add3A_252 = arith.addi %mul3A_51, %add3A_251 : vector<1x8192xi32>
    %swap3A_253 = arith.constant 0 : index
    %swap3A_254 = arith.constant 22 : index
    %swap3A_255 = arith.constant 0 : index
    %swap3A_256 = vector.load %arg3[%swap3A_253, %swap3A_254, %swap3A_255] : memref<1x24x8192xi32, #tpu.memory_space<vmem>>, vector<1x1x8192xi32>
    %swap3A_257 = vector.shape_cast %swap3A_256 : vector<1x1x8192xi32> to vector<1x8192xi32>
    %swap3A_258 = vector.shape_cast %add3A_252 : vector<1x8192xi32> to vector<1x1x8192xi32>
    tpu.vector_store %arg3[%swap3A_253, %swap3A_254, %swap3A_255], %swap3A_258 {strides = array<i32>} : memref<1x24x8192xi32, #tpu.memory_space<vmem>>, vector<1x1x8192xi32>,
    %add3A_259 = arith.constant 12485 : i32
    %add3A_260 = vector.broadcast %add3A_259 : i32 to vector<1x8192xi32>
    %add3A_261 = arith.addi %mul3A_51, %add3A_260 : vector<1x8192xi32>
    %swap3A_262 = arith.constant 0 : index
    %swap3A_263 = arith.constant 23 : index
    %swap3A_264 = arith.constant 0 : index
    %swap3A_265 = vector.load %arg3[%swap3A_262, %swap3A_263, %swap3A_264] : memref<1x24x8192xi32, #tpu.memory_space<vmem>>, vector<1x1x8192xi32>
    %swap3A_266 = vector.shape_cast %swap3A_265 : vector<1x1x8192xi32> to vector<1x8192xi32>
    %swap3A_267 = vector.shape_cast %add3A_261 : vector<1x8192xi32> to vector<1x1x8192xi32>
    tpu.vector_store %arg3[%swap3A_262, %swap3A_263, %swap3A_264], %swap3A_267 {strides = array<i32>} : memref<1x24x8192xi32, #tpu.memory_space<vmem>>, vector<1x1x8192xi32>,
    return
  }
  func.func @transform_0(%arg0: i32) -> (i32, i32, i32) {
    %c0_i32 = arith.constant 0 : i32
    %c0_i32_0 = arith.constant 0 : i32
    %c0_i32_1 = arith.constant 0 : i32
    return %arg0, %c0_i32, %c0_i32_0 : i32, i32, i32
  }
  func.func @transform_1(%arg0: i32) -> (i32, i32, i32) {
    %c0_i32 = arith.constant 0 : i32
    %c0_i32_0 = arith.constant 0 : i32
    %c0_i32_1 = arith.constant 0 : i32
    return %arg0, %c0_i32, %c0_i32_0 : i32, i32, i32
  }
  func.func @transform_2(%arg0: i32) -> (i32, i32, i32) {
    %c0_i32 = arith.constant 0 : i32
    %c0_i32_0 = arith.constant 0 : i32
    %c0_i32_1 = arith.constant 0 : i32
    return %arg0, %c0_i32, %c0_i32_0 : i32, i32, i32
  }
  func.func @transform_3(%arg0: i32) -> (i32, i32, i32) {
    %c0_i32 = arith.constant 0 : i32
    %c0_i32_0 = arith.constant 0 : i32
    %c0_i32_1 = arith.constant 0 : i32
    return %arg0, %c0_i32, %c0_i32_0 : i32, i32, i32
  }
}

module attributes {stable_mosaic.version = 14 : i64} {
  func.func @_tc_blend_body(%arg0: i32, %arg1: memref<1x24x8192xf32, #tpu.memory_space<vmem>>, %arg2: memref<1x3x8192xf32, #tpu.memory_space<vmem>>, %arg3: memref<1x3x8192xf32, #tpu.memory_space<vmem>>) attributes {dimension_semantics = [#tpu.dimension_semantics<arbitrary>], iteration_bounds = array<i64: 32>, scalar_prefetch = 0 : i64, scratch_operands = 0 : i64, tpu.core_type = #tpu.core_type<tc>, window_params = [{transform_indices = @transform_0, window_bounds = array<i64: 1, 24, 8192>}, {transform_indices = @transform_1, window_bounds = array<i64: 1, 3, 8192>}, {transform_indices = @transform_2, window_bounds = array<i64: 1, 3, 8192>}]} {
    %get3A = arith.constant 0 : index
    %get3A_0 = arith.constant 0 : index
    %get3A_1 = arith.constant 0 : index
    %get3A_2 = vector.load %arg2[%get3A, %get3A_0, %get3A_1] : memref<1x3x8192xf32, #tpu.memory_space<vmem>>, vector<1x1x8192xf32>
    %get3A_3 = vector.shape_cast %get3A_2 : vector<1x1x8192xf32> to vector<1x8192xf32>
    %get3A_4 = arith.constant 0 : index
    %get3A_5 = arith.constant 1 : index
    %get3A_6 = arith.constant 0 : index
    %get3A_7 = vector.load %arg2[%get3A_4, %get3A_5, %get3A_6] : memref<1x3x8192xf32, #tpu.memory_space<vmem>>, vector<1x1x8192xf32>
    %get3A_8 = vector.shape_cast %get3A_7 : vector<1x1x8192xf32> to vector<1x8192xf32>
    %get3A_9 = arith.constant 0 : index
    %get3A_10 = arith.constant 2 : index
    %get3A_11 = arith.constant 0 : index
    %get3A_12 = vector.load %arg2[%get3A_9, %get3A_10, %get3A_11] : memref<1x3x8192xf32, #tpu.memory_space<vmem>>, vector<1x1x8192xf32>
    %get3A_13 = vector.shape_cast %get3A_12 : vector<1x1x8192xf32> to vector<1x8192xf32>
    %sub3A = arith.constant 1.000000e+00 : f32
    %sub3A_14 = vector.broadcast %sub3A : f32 to vector<1x8192xf32>
    %sub3A_15 = arith.subf %sub3A_14, %get3A_3 : vector<1x8192xf32>
    %sub3A_16 = arith.constant 1.000000e+00 : f32
    %sub3A_17 = vector.broadcast %sub3A_16 : f32 to vector<1x8192xf32>
    %sub3A_18 = arith.subf %sub3A_17, %get3A_8 : vector<1x8192xf32>
    %sub3A_19 = arith.constant 1.000000e+00 : f32
    %sub3A_20 = vector.broadcast %sub3A_19 : f32 to vector<1x8192xf32>
    %sub3A_21 = arith.subf %sub3A_20, %get3A_13 : vector<1x8192xf32>
    %mul3A = arith.mulf %sub3A_15, %sub3A_18 : vector<1x8192xf32>
    %mul3A_22 = arith.mulf %mul3A, %sub3A_21 : vector<1x8192xf32>
    %get3A_23 = arith.constant 0 : index
    %get3A_24 = arith.constant 0 : index
    %get3A_25 = arith.constant 0 : index
    %get3A_26 = vector.load %arg1[%get3A_23, %get3A_24, %get3A_25] : memref<1x24x8192xf32, #tpu.memory_space<vmem>>, vector<1x1x8192xf32>
    %get3A_27 = vector.shape_cast %get3A_26 : vector<1x1x8192xf32> to vector<1x8192xf32>
    %mul3A_28 = arith.mulf %mul3A_22, %get3A_27 : vector<1x8192xf32>
    %mul3A_29 = arith.mulf %sub3A_15, %sub3A_18 : vector<1x8192xf32>
    %mul3A_30 = arith.mulf %mul3A_29, %get3A_13 : vector<1x8192xf32>
    %get3A_31 = arith.constant 0 : index
    %get3A_32 = arith.constant 3 : index
    %get3A_33 = arith.constant 0 : index
    %get3A_34 = vector.load %arg1[%get3A_31, %get3A_32, %get3A_33] : memref<1x24x8192xf32, #tpu.memory_space<vmem>>, vector<1x1x8192xf32>
    %get3A_35 = vector.shape_cast %get3A_34 : vector<1x1x8192xf32> to vector<1x8192xf32>
    %mul3A_36 = arith.mulf %mul3A_30, %get3A_35 : vector<1x8192xf32>
    %add3A = arith.addf %mul3A_28, %mul3A_36 : vector<1x8192xf32>
    %mul3A_37 = arith.mulf %sub3A_15, %get3A_8 : vector<1x8192xf32>
    %mul3A_38 = arith.mulf %mul3A_37, %sub3A_21 : vector<1x8192xf32>
    %get3A_39 = arith.constant 0 : index
    %get3A_40 = arith.constant 6 : index
    %get3A_41 = arith.constant 0 : index
    %get3A_42 = vector.load %arg1[%get3A_39, %get3A_40, %get3A_41] : memref<1x24x8192xf32, #tpu.memory_space<vmem>>, vector<1x1x8192xf32>
    %get3A_43 = vector.shape_cast %get3A_42 : vector<1x1x8192xf32> to vector<1x8192xf32>
    %mul3A_44 = arith.mulf %mul3A_38, %get3A_43 : vector<1x8192xf32>
    %add3A_45 = arith.addf %add3A, %mul3A_44 : vector<1x8192xf32>
    %mul3A_46 = arith.mulf %sub3A_15, %get3A_8 : vector<1x8192xf32>
    %mul3A_47 = arith.mulf %mul3A_46, %get3A_13 : vector<1x8192xf32>
    %get3A_48 = arith.constant 0 : index
    %get3A_49 = arith.constant 9 : index
    %get3A_50 = arith.constant 0 : index
    %get3A_51 = vector.load %arg1[%get3A_48, %get3A_49, %get3A_50] : memref<1x24x8192xf32, #tpu.memory_space<vmem>>, vector<1x1x8192xf32>
    %get3A_52 = vector.shape_cast %get3A_51 : vector<1x1x8192xf32> to vector<1x8192xf32>
    %mul3A_53 = arith.mulf %mul3A_47, %get3A_52 : vector<1x8192xf32>
    %add3A_54 = arith.addf %add3A_45, %mul3A_53 : vector<1x8192xf32>
    %mul3A_55 = arith.mulf %get3A_3, %sub3A_18 : vector<1x8192xf32>
    %mul3A_56 = arith.mulf %mul3A_55, %sub3A_21 : vector<1x8192xf32>
    %get3A_57 = arith.constant 0 : index
    %get3A_58 = arith.constant 12 : index
    %get3A_59 = arith.constant 0 : index
    %get3A_60 = vector.load %arg1[%get3A_57, %get3A_58, %get3A_59] : memref<1x24x8192xf32, #tpu.memory_space<vmem>>, vector<1x1x8192xf32>
    %get3A_61 = vector.shape_cast %get3A_60 : vector<1x1x8192xf32> to vector<1x8192xf32>
    %mul3A_62 = arith.mulf %mul3A_56, %get3A_61 : vector<1x8192xf32>
    %add3A_63 = arith.addf %add3A_54, %mul3A_62 : vector<1x8192xf32>
    %mul3A_64 = arith.mulf %get3A_3, %sub3A_18 : vector<1x8192xf32>
    %mul3A_65 = arith.mulf %mul3A_64, %get3A_13 : vector<1x8192xf32>
    %get3A_66 = arith.constant 0 : index
    %get3A_67 = arith.constant 15 : index
    %get3A_68 = arith.constant 0 : index
    %get3A_69 = vector.load %arg1[%get3A_66, %get3A_67, %get3A_68] : memref<1x24x8192xf32, #tpu.memory_space<vmem>>, vector<1x1x8192xf32>
    %get3A_70 = vector.shape_cast %get3A_69 : vector<1x1x8192xf32> to vector<1x8192xf32>
    %mul3A_71 = arith.mulf %mul3A_65, %get3A_70 : vector<1x8192xf32>
    %add3A_72 = arith.addf %add3A_63, %mul3A_71 : vector<1x8192xf32>
    %mul3A_73 = arith.mulf %get3A_3, %get3A_8 : vector<1x8192xf32>
    %mul3A_74 = arith.mulf %mul3A_73, %sub3A_21 : vector<1x8192xf32>
    %get3A_75 = arith.constant 0 : index
    %get3A_76 = arith.constant 18 : index
    %get3A_77 = arith.constant 0 : index
    %get3A_78 = vector.load %arg1[%get3A_75, %get3A_76, %get3A_77] : memref<1x24x8192xf32, #tpu.memory_space<vmem>>, vector<1x1x8192xf32>
    %get3A_79 = vector.shape_cast %get3A_78 : vector<1x1x8192xf32> to vector<1x8192xf32>
    %mul3A_80 = arith.mulf %mul3A_74, %get3A_79 : vector<1x8192xf32>
    %add3A_81 = arith.addf %add3A_72, %mul3A_80 : vector<1x8192xf32>
    %mul3A_82 = arith.mulf %get3A_3, %get3A_8 : vector<1x8192xf32>
    %mul3A_83 = arith.mulf %mul3A_82, %get3A_13 : vector<1x8192xf32>
    %get3A_84 = arith.constant 0 : index
    %get3A_85 = arith.constant 21 : index
    %get3A_86 = arith.constant 0 : index
    %get3A_87 = vector.load %arg1[%get3A_84, %get3A_85, %get3A_86] : memref<1x24x8192xf32, #tpu.memory_space<vmem>>, vector<1x1x8192xf32>
    %get3A_88 = vector.shape_cast %get3A_87 : vector<1x1x8192xf32> to vector<1x8192xf32>
    %mul3A_89 = arith.mulf %mul3A_83, %get3A_88 : vector<1x8192xf32>
    %add3A_90 = arith.addf %add3A_81, %mul3A_89 : vector<1x8192xf32>
    %swap3A = arith.constant 0 : index
    %swap3A_91 = arith.constant 0 : index
    %swap3A_92 = arith.constant 0 : index
    %swap3A_93 = vector.load %arg3[%swap3A, %swap3A_91, %swap3A_92] : memref<1x3x8192xf32, #tpu.memory_space<vmem>>, vector<1x1x8192xf32>
    %swap3A_94 = vector.shape_cast %swap3A_93 : vector<1x1x8192xf32> to vector<1x8192xf32>
    %swap3A_95 = vector.shape_cast %add3A_90 : vector<1x8192xf32> to vector<1x1x8192xf32>
    tpu.vector_store %arg3[%swap3A, %swap3A_91, %swap3A_92], %swap3A_95 {strides = array<i32>} : memref<1x3x8192xf32, #tpu.memory_space<vmem>>, vector<1x1x8192xf32>,
    %mul3A_96 = arith.mulf %sub3A_15, %sub3A_18 : vector<1x8192xf32>
    %mul3A_97 = arith.mulf %mul3A_96, %sub3A_21 : vector<1x8192xf32>
    %get3A_98 = arith.constant 0 : index
    %get3A_99 = arith.constant 1 : index
    %get3A_100 = arith.constant 0 : index
    %get3A_101 = vector.load %arg1[%get3A_98, %get3A_99, %get3A_100] : memref<1x24x8192xf32, #tpu.memory_space<vmem>>, vector<1x1x8192xf32>
    %get3A_102 = vector.shape_cast %get3A_101 : vector<1x1x8192xf32> to vector<1x8192xf32>
    %mul3A_103 = arith.mulf %mul3A_97, %get3A_102 : vector<1x8192xf32>
    %mul3A_104 = arith.mulf %sub3A_15, %sub3A_18 : vector<1x8192xf32>
    %mul3A_105 = arith.mulf %mul3A_104, %get3A_13 : vector<1x8192xf32>
    %get3A_106 = arith.constant 0 : index
    %get3A_107 = arith.constant 4 : index
    %get3A_108 = arith.constant 0 : index
    %get3A_109 = vector.load %arg1[%get3A_106, %get3A_107, %get3A_108] : memref<1x24x8192xf32, #tpu.memory_space<vmem>>, vector<1x1x8192xf32>
    %get3A_110 = vector.shape_cast %get3A_109 : vector<1x1x8192xf32> to vector<1x8192xf32>
    %mul3A_111 = arith.mulf %mul3A_105, %get3A_110 : vector<1x8192xf32>
    %add3A_112 = arith.addf %mul3A_103, %mul3A_111 : vector<1x8192xf32>
    %mul3A_113 = arith.mulf %sub3A_15, %get3A_8 : vector<1x8192xf32>
    %mul3A_114 = arith.mulf %mul3A_113, %sub3A_21 : vector<1x8192xf32>
    %get3A_115 = arith.constant 0 : index
    %get3A_116 = arith.constant 7 : index
    %get3A_117 = arith.constant 0 : index
    %get3A_118 = vector.load %arg1[%get3A_115, %get3A_116, %get3A_117] : memref<1x24x8192xf32, #tpu.memory_space<vmem>>, vector<1x1x8192xf32>
    %get3A_119 = vector.shape_cast %get3A_118 : vector<1x1x8192xf32> to vector<1x8192xf32>
    %mul3A_120 = arith.mulf %mul3A_114, %get3A_119 : vector<1x8192xf32>
    %add3A_121 = arith.addf %add3A_112, %mul3A_120 : vector<1x8192xf32>
    %mul3A_122 = arith.mulf %sub3A_15, %get3A_8 : vector<1x8192xf32>
    %mul3A_123 = arith.mulf %mul3A_122, %get3A_13 : vector<1x8192xf32>
    %get3A_124 = arith.constant 0 : index
    %get3A_125 = arith.constant 10 : index
    %get3A_126 = arith.constant 0 : index
    %get3A_127 = vector.load %arg1[%get3A_124, %get3A_125, %get3A_126] : memref<1x24x8192xf32, #tpu.memory_space<vmem>>, vector<1x1x8192xf32>
    %get3A_128 = vector.shape_cast %get3A_127 : vector<1x1x8192xf32> to vector<1x8192xf32>
    %mul3A_129 = arith.mulf %mul3A_123, %get3A_128 : vector<1x8192xf32>
    %add3A_130 = arith.addf %add3A_121, %mul3A_129 : vector<1x8192xf32>
    %mul3A_131 = arith.mulf %get3A_3, %sub3A_18 : vector<1x8192xf32>
    %mul3A_132 = arith.mulf %mul3A_131, %sub3A_21 : vector<1x8192xf32>
    %get3A_133 = arith.constant 0 : index
    %get3A_134 = arith.constant 13 : index
    %get3A_135 = arith.constant 0 : index
    %get3A_136 = vector.load %arg1[%get3A_133, %get3A_134, %get3A_135] : memref<1x24x8192xf32, #tpu.memory_space<vmem>>, vector<1x1x8192xf32>
    %get3A_137 = vector.shape_cast %get3A_136 : vector<1x1x8192xf32> to vector<1x8192xf32>
    %mul3A_138 = arith.mulf %mul3A_132, %get3A_137 : vector<1x8192xf32>
    %add3A_139 = arith.addf %add3A_130, %mul3A_138 : vector<1x8192xf32>
    %mul3A_140 = arith.mulf %get3A_3, %sub3A_18 : vector<1x8192xf32>
    %mul3A_141 = arith.mulf %mul3A_140, %get3A_13 : vector<1x8192xf32>
    %get3A_142 = arith.constant 0 : index
    %get3A_143 = arith.constant 16 : index
    %get3A_144 = arith.constant 0 : index
    %get3A_145 = vector.load %arg1[%get3A_142, %get3A_143, %get3A_144] : memref<1x24x8192xf32, #tpu.memory_space<vmem>>, vector<1x1x8192xf32>
    %get3A_146 = vector.shape_cast %get3A_145 : vector<1x1x8192xf32> to vector<1x8192xf32>
    %mul3A_147 = arith.mulf %mul3A_141, %get3A_146 : vector<1x8192xf32>
    %add3A_148 = arith.addf %add3A_139, %mul3A_147 : vector<1x8192xf32>
    %mul3A_149 = arith.mulf %get3A_3, %get3A_8 : vector<1x8192xf32>
    %mul3A_150 = arith.mulf %mul3A_149, %sub3A_21 : vector<1x8192xf32>
    %get3A_151 = arith.constant 0 : index
    %get3A_152 = arith.constant 19 : index
    %get3A_153 = arith.constant 0 : index
    %get3A_154 = vector.load %arg1[%get3A_151, %get3A_152, %get3A_153] : memref<1x24x8192xf32, #tpu.memory_space<vmem>>, vector<1x1x8192xf32>
    %get3A_155 = vector.shape_cast %get3A_154 : vector<1x1x8192xf32> to vector<1x8192xf32>
    %mul3A_156 = arith.mulf %mul3A_150, %get3A_155 : vector<1x8192xf32>
    %add3A_157 = arith.addf %add3A_148, %mul3A_156 : vector<1x8192xf32>
    %mul3A_158 = arith.mulf %get3A_3, %get3A_8 : vector<1x8192xf32>
    %mul3A_159 = arith.mulf %mul3A_158, %get3A_13 : vector<1x8192xf32>
    %get3A_160 = arith.constant 0 : index
    %get3A_161 = arith.constant 22 : index
    %get3A_162 = arith.constant 0 : index
    %get3A_163 = vector.load %arg1[%get3A_160, %get3A_161, %get3A_162] : memref<1x24x8192xf32, #tpu.memory_space<vmem>>, vector<1x1x8192xf32>
    %get3A_164 = vector.shape_cast %get3A_163 : vector<1x1x8192xf32> to vector<1x8192xf32>
    %mul3A_165 = arith.mulf %mul3A_159, %get3A_164 : vector<1x8192xf32>
    %add3A_166 = arith.addf %add3A_157, %mul3A_165 : vector<1x8192xf32>
    %swap3A_167 = arith.constant 0 : index
    %swap3A_168 = arith.constant 1 : index
    %swap3A_169 = arith.constant 0 : index
    %swap3A_170 = vector.load %arg3[%swap3A_167, %swap3A_168, %swap3A_169] : memref<1x3x8192xf32, #tpu.memory_space<vmem>>, vector<1x1x8192xf32>
    %swap3A_171 = vector.shape_cast %swap3A_170 : vector<1x1x8192xf32> to vector<1x8192xf32>
    %swap3A_172 = vector.shape_cast %add3A_166 : vector<1x8192xf32> to vector<1x1x8192xf32>
    tpu.vector_store %arg3[%swap3A_167, %swap3A_168, %swap3A_169], %swap3A_172 {strides = array<i32>} : memref<1x3x8192xf32, #tpu.memory_space<vmem>>, vector<1x1x8192xf32>,
    %mul3A_173 = arith.mulf %sub3A_15, %sub3A_18 : vector<1x8192xf32>
    %mul3A_174 = arith.mulf %mul3A_173, %sub3A_21 : vector<1x8192xf32>
    %get3A_175 = arith.constant 0 : index
    %get3A_176 = arith.constant 2 : index
    %get3A_177 = arith.constant 0 : index
    %get3A_178 = vector.load %arg1[%get3A_175, %get3A_176, %get3A_177] : memref<1x24x8192xf32, #tpu.memory_space<vmem>>, vector<1x1x8192xf32>
    %get3A_179 = vector.shape_cast %get3A_178 : vector<1x1x8192xf32> to vector<1x8192xf32>
    %mul3A_180 = arith.mulf %mul3A_174, %get3A_179 : vector<1x8192xf32>
    %mul3A_181 = arith.mulf %sub3A_15, %sub3A_18 : vector<1x8192xf32>
    %mul3A_182 = arith.mulf %mul3A_181, %get3A_13 : vector<1x8192xf32>
    %get3A_183 = arith.constant 0 : index
    %get3A_184 = arith.constant 5 : index
    %get3A_185 = arith.constant 0 : index
    %get3A_186 = vector.load %arg1[%get3A_183, %get3A_184, %get3A_185] : memref<1x24x8192xf32, #tpu.memory_space<vmem>>, vector<1x1x8192xf32>
    %get3A_187 = vector.shape_cast %get3A_186 : vector<1x1x8192xf32> to vector<1x8192xf32>
    %mul3A_188 = arith.mulf %mul3A_182, %get3A_187 : vector<1x8192xf32>
    %add3A_189 = arith.addf %mul3A_180, %mul3A_188 : vector<1x8192xf32>
    %mul3A_190 = arith.mulf %sub3A_15, %get3A_8 : vector<1x8192xf32>
    %mul3A_191 = arith.mulf %mul3A_190, %sub3A_21 : vector<1x8192xf32>
    %get3A_192 = arith.constant 0 : index
    %get3A_193 = arith.constant 8 : index
    %get3A_194 = arith.constant 0 : index
    %get3A_195 = vector.load %arg1[%get3A_192, %get3A_193, %get3A_194] : memref<1x24x8192xf32, #tpu.memory_space<vmem>>, vector<1x1x8192xf32>
    %get3A_196 = vector.shape_cast %get3A_195 : vector<1x1x8192xf32> to vector<1x8192xf32>
    %mul3A_197 = arith.mulf %mul3A_191, %get3A_196 : vector<1x8192xf32>
    %add3A_198 = arith.addf %add3A_189, %mul3A_197 : vector<1x8192xf32>
    %mul3A_199 = arith.mulf %sub3A_15, %get3A_8 : vector<1x8192xf32>
    %mul3A_200 = arith.mulf %mul3A_199, %get3A_13 : vector<1x8192xf32>
    %get3A_201 = arith.constant 0 : index
    %get3A_202 = arith.constant 11 : index
    %get3A_203 = arith.constant 0 : index
    %get3A_204 = vector.load %arg1[%get3A_201, %get3A_202, %get3A_203] : memref<1x24x8192xf32, #tpu.memory_space<vmem>>, vector<1x1x8192xf32>
    %get3A_205 = vector.shape_cast %get3A_204 : vector<1x1x8192xf32> to vector<1x8192xf32>
    %mul3A_206 = arith.mulf %mul3A_200, %get3A_205 : vector<1x8192xf32>
    %add3A_207 = arith.addf %add3A_198, %mul3A_206 : vector<1x8192xf32>
    %mul3A_208 = arith.mulf %get3A_3, %sub3A_18 : vector<1x8192xf32>
    %mul3A_209 = arith.mulf %mul3A_208, %sub3A_21 : vector<1x8192xf32>
    %get3A_210 = arith.constant 0 : index
    %get3A_211 = arith.constant 14 : index
    %get3A_212 = arith.constant 0 : index
    %get3A_213 = vector.load %arg1[%get3A_210, %get3A_211, %get3A_212] : memref<1x24x8192xf32, #tpu.memory_space<vmem>>, vector<1x1x8192xf32>
    %get3A_214 = vector.shape_cast %get3A_213 : vector<1x1x8192xf32> to vector<1x8192xf32>
    %mul3A_215 = arith.mulf %mul3A_209, %get3A_214 : vector<1x8192xf32>
    %add3A_216 = arith.addf %add3A_207, %mul3A_215 : vector<1x8192xf32>
    %mul3A_217 = arith.mulf %get3A_3, %sub3A_18 : vector<1x8192xf32>
    %mul3A_218 = arith.mulf %mul3A_217, %get3A_13 : vector<1x8192xf32>
    %get3A_219 = arith.constant 0 : index
    %get3A_220 = arith.constant 17 : index
    %get3A_221 = arith.constant 0 : index
    %get3A_222 = vector.load %arg1[%get3A_219, %get3A_220, %get3A_221] : memref<1x24x8192xf32, #tpu.memory_space<vmem>>, vector<1x1x8192xf32>
    %get3A_223 = vector.shape_cast %get3A_222 : vector<1x1x8192xf32> to vector<1x8192xf32>
    %mul3A_224 = arith.mulf %mul3A_218, %get3A_223 : vector<1x8192xf32>
    %add3A_225 = arith.addf %add3A_216, %mul3A_224 : vector<1x8192xf32>
    %mul3A_226 = arith.mulf %get3A_3, %get3A_8 : vector<1x8192xf32>
    %mul3A_227 = arith.mulf %mul3A_226, %sub3A_21 : vector<1x8192xf32>
    %get3A_228 = arith.constant 0 : index
    %get3A_229 = arith.constant 20 : index
    %get3A_230 = arith.constant 0 : index
    %get3A_231 = vector.load %arg1[%get3A_228, %get3A_229, %get3A_230] : memref<1x24x8192xf32, #tpu.memory_space<vmem>>, vector<1x1x8192xf32>
    %get3A_232 = vector.shape_cast %get3A_231 : vector<1x1x8192xf32> to vector<1x8192xf32>
    %mul3A_233 = arith.mulf %mul3A_227, %get3A_232 : vector<1x8192xf32>
    %add3A_234 = arith.addf %add3A_225, %mul3A_233 : vector<1x8192xf32>
    %mul3A_235 = arith.mulf %get3A_3, %get3A_8 : vector<1x8192xf32>
    %mul3A_236 = arith.mulf %mul3A_235, %get3A_13 : vector<1x8192xf32>
    %get3A_237 = arith.constant 0 : index
    %get3A_238 = arith.constant 23 : index
    %get3A_239 = arith.constant 0 : index
    %get3A_240 = vector.load %arg1[%get3A_237, %get3A_238, %get3A_239] : memref<1x24x8192xf32, #tpu.memory_space<vmem>>, vector<1x1x8192xf32>
    %get3A_241 = vector.shape_cast %get3A_240 : vector<1x1x8192xf32> to vector<1x8192xf32>
    %mul3A_242 = arith.mulf %mul3A_236, %get3A_241 : vector<1x8192xf32>
    %add3A_243 = arith.addf %add3A_234, %mul3A_242 : vector<1x8192xf32>
    %swap3A_244 = arith.constant 0 : index
    %swap3A_245 = arith.constant 2 : index
    %swap3A_246 = arith.constant 0 : index
    %swap3A_247 = vector.load %arg3[%swap3A_244, %swap3A_245, %swap3A_246] : memref<1x3x8192xf32, #tpu.memory_space<vmem>>, vector<1x1x8192xf32>
    %swap3A_248 = vector.shape_cast %swap3A_247 : vector<1x1x8192xf32> to vector<1x8192xf32>
    %swap3A_249 = vector.shape_cast %add3A_243 : vector<1x8192xf32> to vector<1x1x8192xf32>
    tpu.vector_store %arg3[%swap3A_244, %swap3A_245, %swap3A_246], %swap3A_249 {strides = array<i32>} : memref<1x3x8192xf32, #tpu.memory_space<vmem>>, vector<1x1x8192xf32>,
    return
  }
  func.func @transform_0(%arg0: i32) -> (i32, i32, i32) {
    %c0_i32 = arith.constant 0 : i32
    %c0_i32_0 = arith.constant 0 : i32
    %c0_i32_1 = arith.constant 0 : i32
    return %arg0, %c0_i32, %c0_i32_0 : i32, i32, i32
  }
  func.func @transform_1(%arg0: i32) -> (i32, i32, i32) {
    %c0_i32 = arith.constant 0 : i32
    %c0_i32_0 = arith.constant 0 : i32
    %c0_i32_1 = arith.constant 0 : i32
    return %arg0, %c0_i32, %c0_i32_0 : i32, i32, i32
  }
  func.func @transform_2(%arg0: i32) -> (i32, i32, i32) {
    %c0_i32 = arith.constant 0 : i32
    %c0_i32_0 = arith.constant 0 : i32
    %c0_i32_1 = arith.constant 0 : i32
    return %arg0, %c0_i32, %c0_i32_0 : i32, i32, i32
  }
}

</mosaic_0001>

<sc_bundles>
// kernel: kernel.5.cloned.1.call-start
scs
__scs_entry_jumppad:
0x0: {  	(pc) =	sbr.rel $0x88, $3  }
0x1: {  	(tag) =	ssettag $0x0;
	lr =	simm.s32 $0x1  }
0x2: {  	[smem:$0x3F9A] =	sst lr;
	_ =	strace $0xD0000000  }
0x3: {  	_ = 	snop  }
0x4: {  	_ = 	snop  }
0x5: {  	_ = 	snop  }
0x6: {  	_ = 	snop  }
0x7: {  	_ = 	snop  }
__scs_overlays_trampoline_lowered:
0x8: {  	[smem:$0x3FA9] =	sst s0  }
0x9: {  	[smem:$0x3FAA] =	sst s1  }
0xa: {  	[smem:$0x3FAB] =	sst s2  }
0xb: {  	[smem:$0x3FAC] =	sst s3  }
0xc: {  	[smem:$0x3FAD] =	sst s4  }
0xd: {  	[smem:$0x3FAE] =	sst s5  }
0xe: {  	[smem:$0x3FAF] =	sst s6  }
0xf: {  	[smem:$0x3FB0] =	sst s7  }
0x10: {  	[smem:$0x3FB1] =	sst s8  }
0x11: {  	[smem:$0x3FB2] =	sst s9;
	s0 =	simm.s32 @!p0 $0x0  }
0x12: {  	s1 =	sld [smem:$0x3F98];
	s0 =	simm.s32 @p0 $0x1  }
0x13: {  	[smem:$0x3FB3] =	sst s0;
	s0 =	simm.s32 @!p1 $0x0  }
0x14: {  	s2 =	sld [smem:$0x3F97];
	s0 =	simm.s32 @p1 $0x1  }
0x15: {  	[smem:$0x3FB4] =	sst s0;
	s0 =	simm.s32 @!p2 $0x0  }
0x16: {  	s3 =	sld [smem:$0x3FDB];
	s0 =	simm.s32 @p2 $0x1  }
0x17: {  	s4 =	simm.s32 $0x1BF5;
	[smem:$0x3FB6] =	sst s0  }
0x18: {  	s0 =	sld [smem:$0x3F99];
	_ =	swait.ge [sflag:s4], $0x0  }
0x19: {  	s7 =	sld [smem:$0x3F9A]  }
0x1a: {  	s8 =	sadd.s32 $0xFFFFE003, lr  }
0x1b: {  	s9 =	sadd.s32 $0xFFFFFEF7, lr;
	s5 =	simm.s32 $0xFFFFFFFF;
	p2 =	slt.u32 s8, $0xFFFFF086  }
0x1c: {  	p1 =	slt.u32 s9, $0xF7A;
	s5 =	simm.s32 @!p2 $0x0  }
0x1d: {  	s5 =	simm.s32 @p1 $0x1;
	p0 =	seq.s32 s7, s2  }
0x1e: {  	s7 =	smul.u32 @!p0 $0xF7A, s2;
	p2 =	seq.s32 @!p0 s5, $0x0  }
0x1f: {  	s9 =	smul.u32 $0xF7A, s1;
	s8 =	simm.s32 @!p0 $0x1BF5;
	p2 =	por !p2, p0  }
0x20: {  	[sflag:s8] =	ssyncset.s32 @!p0 $0xFFFFF086;
	s6 =	sadd.s32 @!p0 s3, s7;
	s7 =	simm.s32 @!p0 $0x108  }
0x21: {  	s3 =	sadd.s32 s3, s9;
	s6 =	sadd.s32 @!p0 $0x88, s6;
	s7 =	simm.s32 @p2 $0x1082  }
0x22: {  	[simem:s7], [sflag:s8] =	dma.local @!p0 [hbm:s6], $0xF7A  }
0x23: {  	s9 =	sor.u32 $0xD0000000, s2;
	s6 =	simm.s32 $0x108;
	_ =	swait.ge @!p0 [sflag:s8], $0x0  }
0x24: {  	s3 =	sadd.s32 $0x88, s3;
	s6 =	simm.s32 @!p1 $0x1082;
	[sflag:s4] =	ssyncset.s32 $0xFFFFF086  }
0x25: {  	[simem:s6], [sflag:s4] =	dma.local [hbm:s3], $0xF7A  }
0x26: {  	[smem:$0x3F9A] =	sst s1;
	(tag) =	ssettag s2;
	_ =	strace s9  }
0x27: {  	s1 =	sld [smem:$0x3FAA]  }
0x28: {  	s2 =	sld [smem:$0x3FAB]  }
0x29: {  	s4 =	sld [smem:$0x3FAD]  }
0x2a: {  	p0 =	seq.s32 s5, $0x0;
	s5 =	sld [smem:$0x3FAE]  }
0x2b: {  	s6 =	sld [smem:$0x3FAF]  }
0x2c: {  	s7 =	sld [smem:$0x3FB0]  }
0x2d: {  	s3 =	simm.s32 $0x108;
	s8 =	sld [smem:$0x3FB1]  }
0x2e: {  	s3 =	simm.s32 @!p0 $0x1082;
	s9 =	sld [smem:$0x3FB2]  }
0x2f: {  	lr =	sadd.s32 s0, s3;
	s0 =	sld [smem:$0x3FA9]  }
0x30: {  	s3 =	sld [smem:$0x3FAC]  }
0x31: {  	[smem:$0x3FB5] =	sst s10  }
0x32: {  	s10 =	sld [smem:$0x3FB3];
	_ =	sdelay $0x3  }
0x33: {  	p0 =	seq.s32 s10, $0x1;
	s10 =	sld [smem:$0x3FB5];
	_ =	sdelay $0x3  }
0x34: {  	[smem:$0x3FB5] =	sst s10  }
0x35: {  	s10 =	sld [smem:$0x3FB4];
	_ =	sdelay $0x3  }
0x36: {  	p1 =	seq.s32 s10, $0x1;
	s10 =	sld [smem:$0x3FB5];
	_ =	sdelay $0x3  }
0x37: {  	[smem:$0x3FB5] =	sst s10  }
0x38: {  	s10 =	sld [smem:$0x3FB6]  }
0x39: {  	_ = 	snop;
	(pc) =	sbr.ind lr, $3  }
0x3a: {  	_ = 	snop  }
0x3b: {  	_ = 	snop  }
0x3c: {  	p2 =	seq.s32 s10, $0x1;
	s10 =	sld [smem:$0x3FB5]  }
0x3d: {  	_ =	shalt  }
0x3e: {  	_ =	shalt  }
0x3f: {  	_ =	shalt  }
0x40: {  	_ =	shalt  }
0x41: {  	_ =	shalt  }
0x42: {  	_ =	shalt  }
0x43: {  	_ =	shalt  }
0x44: {  	_ =	shalt  }
0x45: {  	_ =	shalt  }
0x46: {  	_ =	shalt  }
0x47: {  	_ =	shalt  }
0x48: {  	_ =	shalt  }
0x49: {  	_ =	shalt  }
0x4a: {  	_ =	shalt  }
0x4b: {  	_ =	shalt  }
0x4c: {  	_ =	shalt  }
0x4d: {  	_ =	shalt  }
0x4e: {  	_ =	shalt  }
0x4f: {  	_ =	shalt  }
0x50: {  	_ =	shalt  }
0x51: {  	_ =	shalt  }
0x52: {  	_ =	shalt  }
0x53: {  	_ =	shalt  }
0x54: {  	_ =	shalt  }
0x55: {  	_ =	shalt  }
0x56: {  	_ =	shalt  }
0x57: {  	_ =	shalt  }
0x58: {  	_ =	shalt  }
0x59: {  	_ =	shalt  }
0x5a: {  	_ =	shalt  }
0x5b: {  	_ =	shalt  }
0x5c: {  	_ =	shalt  }
0x5d: {  	_ =	shalt  }
0x5e: {  	_ =	shalt  }
0x5f: {  	_ =	shalt  }
0x60: {  	_ =	shalt  }
0x61: {  	_ =	shalt  }
0x62: {  	_ =	shalt  }
0x63: {  	_ =	shalt  }
0x64: {  	_ =	shalt  }
0x65: {  	_ =	shalt  }
0x66: {  	_ =	shalt  }
0x67: {  	_ =	shalt  }
0x68: {  	_ =	shalt  }
0x69: {  	_ =	shalt  }
0x6a: {  	_ =	shalt  }
0x6b: {  	_ =	shalt  }
0x6c: {  	_ =	shalt  }
0x6d: {  	_ =	shalt  }
0x6e: {  	_ =	shalt  }
0x6f: {  	_ =	shalt  }
0x70: {  	_ =	shalt  }
0x71: {  	_ =	shalt  }
0x72: {  	_ =	shalt  }
0x73: {  	_ =	shalt  }
0x74: {  	_ =	shalt  }
0x75: {  	_ =	shalt  }
0x76: {  	_ =	shalt  }
0x77: {  	_ =	shalt  }
0x78: {  	_ =	shalt  }
0x79: {  	_ =	shalt  }
0x7a: {  	_ =	shalt  }
0x7b: {  	_ =	shalt  }
0x7c: {  	_ =	shalt  }
0x7d: {  	_ =	shalt  }
0x7e: {  	_ =	shalt  }
0x7f: {  	_ =	shalt  }
0x80: {  	_ =	shalt  }
0x81: {  	_ =	shalt  }
0x82: {  	_ =	shalt  }
0x83: {  	_ =	shalt  }
0x84: {  	_ =	shalt  }
0x85: {  	_ =	shalt  }
0x86: {  	_ =	shalt  }
0x87: {  	_ =	shalt  }
.Lfunc_end0:
.L_simem_size_0:
called_computation_lowered:
.L_overlay_start_0:
0x88: {  	s2 =	sld [smem:$0x3FD9]  }
0x89: {  	s3 =	sld [smem:$0x3FFE];
	_ =	sdelay $0x1  }
0x8a: {  	s1 =	srdreg.scid  }
0x8b: {  	s0 =	sand.u32 $0x1, s1  }
0x8c: {  	s16 =	sshll.u32 s0, $0xA;
	s2 =	sadd.s32 s3, s2  }
0x8d: {  	s2 =	sadd.s32 s2, s16  }
0x8e: {  	[smem:$0x3FC1] =	sst s2  }
0x8f: {  	_ = 	snop  }
0x90: {  	(tm) =	ssettm $0x1  }
0x91: {  	s17 =	sld [smem:$0x3FFB];
	_ =	sdelay $0x3  }
0x92: {  	_ =	strace s17  }
0x93: {  	s2 =	sld [smem:$0x3FFC];
	_ =	sdelay $0x3  }
0x94: {  	_ =	strace s2  }
0x95: {  	s2 =	sld [smem:$0x3FFD];
	_ =	sdelay $0x3  }
0x96: {  	_ =	strace s2  }
0x97: {  	_ =	strace $0x8FFFFFFF  }
0x98: {  	s18 =	sld [smem:$0x3FDB];
	_ =	sdelay $0x1  }
0x99: {  	s19 =	simm.s32 $_scs_section_size  }
0x9a: {  	s4 =	simm.s32 $_size__tile_overlayer_lowered;
	s5 =	simm.s32 $_tile_overlayer_lowered  }
0x9b: {  	s22 =	simm.s32 $0x1BFF;
	s21 =	sshll.u32 s5, $0x1;
	s2 =	sadd.s32 s19, s18  }
0x9c: {  	s6 =	simm.s32 $0x0;
	s20 =	sshll.u32 s4, $0x1;
	s4 =	sadd.s32 s21, s2  }
0x9d: {  	[timem:s6], [sflag:s22] =	dma.local [hbm:s4], s20  }
0x9e: {  	_ =	swait.ge [sflag:s22], s20  }
0x9f: {  	s3 =	ssub.s32 $0x0, s20;
	[sflag:s22] =	ssyncset.done $0x0  }
0xa0: {  	[sflag:s22] =	ssyncadd.s32 s3;
	_ =	sdelay $0x1  }
0xa1: {  	s23 =	simm.s32 $0x1B8B  }
0xa2: {  	_ =	swait.ge [sflag:s23], $0x1  }
0xa3: {  	[sflag:s23] =	ssyncset.done $0x0  }
0xa4: {  	s25 =	simm.s32 $0x1B8E;
	s24 =	sld [smem:$0x3FFE];
	[sflag:s23] =	ssyncadd.s32 $0xFFFFFFFF  }
0xa5: {  	s26 =	simm.s32 $execute0_lowered;
	[smem:$0x3FD2] =	sst s25  }
0xa6: {  	s4 =	sshll.u32 s26, $0x1;
	_ =	strace $0x80000046;
	[dreg:$0x1] =	wrdreg $0xFFFFFFFF  }
0xa7: {  	s28 =	simm.s32 $_size_execute0_lowered;
	s2 =	sadd.s32 s2, s4;
	[dreg:$0x0] =	wrdreg $0x0  }
0xa8: {  	s4 =	sshll.u32 s28, $0x1;
	[dreg:$0x2] =	wrdreg s2  }
0xa9: {  	[dreg:$0x3] =	wrdreg s4  }
0xaa: {  	[dreg:$0x4] =	wrdreg $0xC0  }
0xab: {  	_ =	task [dreg:s6], $0x5FFFF  }
0xac: {  	[dreg:$0x1] =	wrdreg $0xFFFFFFFF  }
0xad: {  	[dreg:$0x0] =	wrdreg $0x60  }
0xae: {  	[dreg:$0x2] =	wrdreg s24  }
0xaf: {  	[dreg:$0x3] =	wrdreg $0x30000  }
0xb0: {  	[dreg:$0x4] =	wrdreg $0xF0000  }
0xb1: {  	[dreg:$0x5] =	wrdreg $0x9  }
0xb2: {  	_ =	task.clear_ibuf [dreg:s6], $0x6FFFF;
	_ =	strace $0x90000046  }
0xb3: {  	s29 =	simm.s32 $0x9;
	_ =	strace $0x80000048  }
0xb4: {  	_ =	swait.ge [sflag:s29], $0x1  }
0xb5: {  	[sflag:s29] =	ssyncadd.s32 $0xFFFFFFFF  }
0xb6: {  	_ =	strace $0x90000048  }
0xb7: {  	_ =	sfence  }
0xb8: {  	s30 =	sld [smem:$0x0];
	_ =	sdelay $0x2  }
0xb9: {  	s31 =	sshll.u32 s1, $0xD;
	s1 =	sshrl.u32 s1, $0x2  }
0xba: {  	s3 =	sand.u32 $0x4000, s31;
	s1 =	sadd.s32 s1, s30  }
0xbb: {  	s0 =	sor.u32 s3, s0;
	s1 =	sshll.u32 s1, $0x11  }
0xbc: {  	s0 =	sor.u32 s1, s0  }
0xbd: {  	s0 =	sadd.s32 $0x8F2B, s0  }
0xbe: {  	[sflag:s0] =	ssyncadd.remote.s32 $0x1  }
0xbf: {  	_ =	sfence.sel $0xFFFF  }
0xc0: {  	[dreg:$0x0] =	wrdreg $0xFFFFFFFF;
	(pc) =	sbr.abs _section_cstart, $3  }
0xc1: {  	[dreg:$0x1] =	wrdreg $0xFFFFFFFF  }
0xc2: {  	_ =	task.clear_ibuf [dreg:s6], $0x2FFFF;
	_ =	strace $0x9FFFFFFF  }
0xc3: {  	(tm) =	ssettm $0x7FFFFFFF  }
tec
execute0_lowered:
.L_overlay_start_1:
0x0: {  	(tag) =	ssettag $0x1  }
0x1: {  	s6 =	rddreg [dreg:$0x0]  }
0x2: {  	s1 =	rddreg [dreg:$0x1]  }
0x3: {  	s2 =	rddreg [dreg:$0x2]  }
0x4: {  	s0 =	rddreg [dreg:$0x3];
	s3 =	stileid.u32  }
0x5: {  	s4 =	simm.s32 $0x0;
	s5 =	srdreg.scid;
	s9 =	smul.u32 $0xC000, s3  }
0x6: {  	s22 =	simm.s32 $0x3;
	s23 =	simm.s32 $0x1800;
	s24 =	smul.u32 $0x600, s3  }
0x7: {  	[smem:$0x7FF] =	sst s4;
	s7 =	sand.u32 $0x1, s5;
	s26 =	smul.u32 $0x3000, s3  }
0x8: {  	s19 =	sadd.s32 $0x1000, s6;
	s5 =	sadd.s32 $0x80E1000, s6;
	s11 =	smul.u32 $0xC00000, s7  }
0x9: {  	s18 =	sadd.s32 $0xE1000, s6;
	s13 =	sshll.u32 s3, $0x6;
	s12 =	smul.u32 $0x60000, s7  }
0xa: {  	_ =	strace $0x80000047;
	s8 =	ssub.s32 $0x2, s7;
	s14 =	smul.u32 $0x300000, s7  }
0xb: {  	s10 =	sshrl.u32 s8, $0x1;
	s6 =	sadd.s32 s9, s1;
	s21 =	sadd.s32 s9, s2  }
0xc: {  	s10 =	ssub.s32 s8, s10;
	s15 =	sor.u32 s9, s11;
	s8 =	sor.u32 $0x1C02, s13  }
0xd: {  	s28 =	sadd.s32 s12, s18;
	s12 =	sadd.s32 s12, s19;
	s16 =	sor.u32 s26, s14  }
0xe: {  	s21 =	sshrl.u32 s21, $0x3;
	s25 =	sshrl.u32 s15, $0x3;
	s9 =	smax.u32 s10, $0x1  }
0xf: {  	s10 =	sadd.s32 s24, s28;
	s11 =	sadd.s32 s24, s12;
	s29 =	sadd.s32 $0x31800, s16  }
0x10: {  	s31 =	sadd.s32 $0xC0000, s15;
	s17 =	sshrl.u32 s16, $0x3;
	s20 =	sadd.s32 $0x1800, s16  }
0x11: {  	s15 =	sadd.s32 $0x180000, s15;
	s24 =	simm.s32 $0x1;
	s7 =	sadd.s32 s5, s25  }
.Ltmp0:
0x12: {  	s10 =	sadd.s32 $0x6000, s10;
	s11 =	sadd.s32 $0x6000, s11;
	(pc) =	sbr.rel .LBB2_1-.Ltmp0, $4  }
0x13: {  	s30 =	sshrl.u32 s29, $0x3;
	s14 =	sshrl.u32 s31, $0x3;
	s16 =	sadd.s32 s17, s18  }
0x14: {  	s20 =	sshrl.u32 s20, $0x3;
	s17 =	sadd.s32 s17, s19;
	s25 =	simm.s32 $0x0  }
0x15: {  	s12 =	sadd.s32 s30, s18;
	s13 =	sadd.s32 s30, s19;
	s14 =	sadd.s32 s14, s5  }
0x16: {  	s18 =	sadd.s32 s20, s18;
	s19 =	sadd.s32 s20, s19;
	s20 =	simm.s32 $0x2  }
.LBB2_4:
0x17: {  	s25 =	sadd.s32 $0x1, s25  }
0x18: {  	p0 =	sne.s32 s25, s9  }
.Ltmp1:
0x19: {  	_ = 	snop;
	(pc) =	sbr.rel @!p0 .LBB2_5-.Ltmp1, $2  }
0x1a: {  	_ =	sdelay $0x1  }
0x1b: {  	[bflag:$0x0] =	sbarrier.arrive $0xFFFF;
	_ =	sdelay $0x1  }
.LBB2_1:
0x1c: {  	s26 =	sshrl.u32 s6, $0x3  }
0x1d: {  	[spmem:s26], [sflag:s8] =	dma.local [hbm:s7], $0x1800  }
0x1e: {  	_ =	swait.ge [sflag:s20], $0x1800  }
0x1f: {  	[sflag:s20] =	ssyncset.done $0x0  }
0x20: {  	s28 =	smov.u32 s14;
	[sflag:s20] =	ssyncadd.s32 $0xFFFFE800  }
0x21: {  	s29 =	simm.s32 $0x0;
	s26 =	smov.u32 s15;
	[bflag:$0x0] =	sbarrier.arrive $0xFFFF  }
.LBB2_2:
0x22: {  	[spmem:s21], [sflag:s8] =	dma.local [hbm:s28], $0x1800  }
0x23: {  	s30 =	sadd.s32 s29, s17  }
0x24: {  	[tilespmem:s4], [sflag:$0x3] =	stream.linear.gather [hbm4b:s30+s4], $0x1800, $0x38;
	[tilespmem:$0x1B000] =	vst v63  }
0x25: {  	_ =	swait.ge [sflag:s22], $0x1800  }
0x26: {  	[sflag:s22] =	ssyncset.done $0x0  }
0x27: {  	[sflag:s22] =	ssyncadd.s32 $0xFFFFE800  }
0x28: {  	[tilespmem:s23], [sflag:$0x1] =	stream.indirect.gather [spmem:s1], $0x1, s4, s23, $0xb8;
	[tilespmem:$0x1B000] =	vst v63  }
0x29: {  	_ =	swait.ge [sflag:s24], $0x1800  }
0x2a: {  	[sflag:s24] =	ssyncset.done $0x0  }
0x2b: {  	s31 =	sadd.s32 s29, s16;
	[sflag:s24] =	ssyncadd.s32 $0xFFFFE800  }
0x2c: {  	[hbm4b:s31+s4] =	stream.linear.scatter [tilespmem:s23], [sflag:$0x3], $0x1800, $0x38;
	[tilespmem:$0x1B000] =	vst v63  }
0x2d: {  	_ =	swait.ge [sflag:s22], $0x1800  }
0x2e: {  	[sflag:s22] =	ssyncset.done $0x0  }
0x2f: {  	s31 =	sadd.s32 s29, s19;
	[sflag:s22] =	ssyncadd.s32 $0xFFFFE800  }
0x30: {  	[tilespmem:s4], [sflag:$0x3] =	stream.linear.gather [hbm4b:s31+s4], $0x1800, $0x38;
	[tilespmem:$0x1B000] =	vst v63  }
0x31: {  	_ =	swait.ge [sflag:s22], $0x1800  }
0x32: {  	[sflag:s22] =	ssyncset.done $0x0  }
0x33: {  	[sflag:s22] =	ssyncadd.s32 $0xFFFFE800  }
0x34: {  	[tilespmem:s23], [sflag:$0x1] =	stream.indirect.gather [spmem:s1], $0x1, s4, s23, $0xb8;
	[tilespmem:$0x1B000] =	vst v63  }
0x35: {  	_ =	swait.ge [sflag:s24], $0x1800  }
0x36: {  	[sflag:s24] =	ssyncset.done $0x0  }
0x37: {  	s31 =	sadd.s32 s29, s18;
	[sflag:s24] =	ssyncadd.s32 $0xFFFFE800  }
0x38: {  	[hbm4b:s31+s4] =	stream.linear.scatter [tilespmem:s23], [sflag:$0x3], $0x1800, $0x38;
	[tilespmem:$0x1B000] =	vst v63  }
0x39: {  	_ =	swait.ge [sflag:s22], $0x1800  }
0x3a: {  	[sflag:s22] =	ssyncset.done $0x0  }
0x3b: {  	[sflag:s22] =	ssyncadd.s32 $0xFFFFE800  }
0x3c: {  	_ =	swait.ge [sflag:s20], $0x1800  }
0x3d: {  	p0 =	seq.s32 s29, $0x54000;
	[sflag:s20] =	ssyncset.done $0x0  }
0x3e: {  	s30 =	sshrl.u32 @!p0 s26, $0x3;
	[sflag:s20] =	ssyncadd.s32 $0xFFFFE800  }
0x3f: {  	s30 =	sadd.s32 @!p0 s5, s30;
	s31 =	sshrl.u32 @!p0 s6, $0x3;
	[bflag:$0x0] =	sbarrier.arrive $0xFFFF  }
0x40: {  	[spmem:s31], [sflag:s8] =	dma.local @!p0 [hbm:s30], $0x1800  }
0x41: {  	s31 =	sadd.s32 s29, s11  }
0x42: {  	[tilespmem:s4], [sflag:$0x3] =	stream.linear.gather [hbm4b:s31+s4], $0x1800, $0x38;
	[tilespmem:$0x1B000] =	vst v63  }
0x43: {  	_ =	swait.ge [sflag:s22], $0x1800  }
0x44: {  	[sflag:s22] =	ssyncset.done $0x0  }
0x45: {  	[sflag:s22] =	ssyncadd.s32 $0xFFFFE800  }
0x46: {  	[tilespmem:s23], [sflag:$0x1] =	stream.indirect.gather [spmem:s2], $0x1, s4, s23, $0xb8;
	[tilespmem:$0x1B000] =	vst v63  }
0x47: {  	_ =	swait.ge [sflag:s24], $0x1800  }
0x48: {  	[sflag:s24] =	ssyncset.done $0x0  }
0x49: {  	s31 =	sadd.s32 s29, s10;
	[sflag:s24] =	ssyncadd.s32 $0xFFFFE800  }
0x4a: {  	[hbm4b:s31+s4] =	stream.linear.scatter [tilespmem:s23], [sflag:$0x3], $0x1800, $0x38;
	[tilespmem:$0x1B000] =	vst v63  }
0x4b: {  	_ =	swait.ge [sflag:s22], $0x1800  }
0x4c: {  	[sflag:s22] =	ssyncset.done $0x0  }
0x4d: {  	s31 =	sadd.s32 s29, s13;
	[sflag:s22] =	ssyncadd.s32 $0xFFFFE800  }
0x4e: {  	[tilespmem:s4], [sflag:$0x3] =	stream.linear.gather [hbm4b:s31+s4], $0x1800, $0x38;
	[tilespmem:$0x1B000] =	vst v63  }
0x4f: {  	_ =	swait.ge [sflag:s22], $0x1800  }
0x50: {  	[sflag:s22] =	ssyncset.done $0x0  }
0x51: {  	[sflag:s22] =	ssyncadd.s32 $0xFFFFE800  }
0x52: {  	[tilespmem:s23], [sflag:$0x1] =	stream.indirect.gather [spmem:s2], $0x1, s4, s23, $0xb8;
	[tilespmem:$0x1B000] =	vst v63  }
0x53: {  	_ =	swait.ge [sflag:s24], $0x1800  }
0x54: {  	[sflag:s24] =	ssyncset.done $0x0  }
.Ltmp2:
0x55: {  	s31 =	sadd.s32 s29, s12;
	[sflag:s24] =	ssyncadd.s32 $0xFFFFE800;
	(pc) =	sbr.rel @p0 .LBB2_4-.Ltmp2, $4  }
0x56: {  	[hbm4b:s31+s4] =	stream.linear.scatter [tilespmem:s23], [sflag:$0x3], $0x1800, $0x38;
	[tilespmem:$0x1B000] =	vst v63  }
0x57: {  	_ =	swait.ge [sflag:s22], $0x1800  }
0x58: {  	[sflag:s22] =	ssyncset.done $0x0  }
0x59: {  	[sflag:s22] =	ssyncadd.s32 $0xFFFFE800  }
.Ltmp3:
0x5a: {  	_ =	swait.ge [sflag:s20], $0x1800;
	(pc) =	sbr.rel .LBB2_2-.Ltmp3, $4  }
0x5b: {  	[sflag:s20] =	ssyncset.done $0x0  }
0x5c: {  	[sflag:s20] =	ssyncadd.s32 $0xFFFFE800  }
0x5d: {  	[bflag:$0x0] =	sbarrier.arrive $0xFFFF  }
0x5e: {  	s29 =	sadd.s32 $0xC000, s29;
	s28 =	sadd.s32 $0x30000, s28;
	s26 =	sadd.s32 $0x180000, s26  }
.LBB2_5:
0x5f: {  	_ =	sfence.sel $0x180000  }
0x60: {  	[bflag:$0x0] =	sbarrier.arrive $0xFFFF  }
0x61: {  	p0 =	sne.s32 s3, $0x0;
	_ =	strace $0x90000047  }
0x62: {  	s0 =	sadd.s32 @!p0 $0x100000, s0;
	[bflag:$0x2] =	sbarrier.arrive $0xFFFF  }
0x63: {  	[sflag:s0] =	ssyncadd.tile.s32 @!p0 $0x1;
	_ =	shalt  }
.Lfunc_end2:
_tile_overlayer_lowered:
.L_overlay_start_2:
0x64: {  	(tag) =	ssettag $0x2  }
0x65: {  	s0 =	rddreg [dreg:$0x0];
	s2 =	stileid.u32  }
0x66: {  	s1 =	rddreg [dreg:$0x1];
	p0 =	sne.s32 s2, $0x0  }
0x67: {  	s3 =	rddreg [dreg:$0x2];
	[bflag:$0x3] =	sbarrier.arrive $0xFFFF;
	s2 =	simm.s32 @!p0 $0x1C03  }
0x68: {  	[timem:s3], [sflag:s2] =	dma.local @!p0 [hbm:s0], s1  }
0x69: {  	s0 =	simm.s32 @!p0 $0x3  }
0x6a: {  	_ =	swait.ge @!p0 [sflag:s0], s1  }
0x6b: {  	s1 =	ssub.s32 @!p0 $0x0, s1;
	[sflag:s0] =	ssyncset.done @!p0 $0x0  }
0x6c: {  	[sflag:s0] =	ssyncadd.s32 @!p0 s1  }
0x6d: {  	[bflag:$0x3] =	sbarrier.arrive $0xFFFF  }
0x6e: {  	_ =	shalt  }

</sc_bundles>
